<compile_context>
chip_gen: v7x
topology: tpu7x:2x2x1
jax: 0.10.2.dev20260603
libtpu: 0.0.44.dev20260713+nightly
codegen_flags: <defaults>
</compile_context>

<pallas_src>
import functools

import jax
import jax.numpy as jnp
from jax import lax
from jax.experimental import pallas as pl
from jax.experimental.pallas import tpu as pltpu
from jax.experimental.pallas import tpu_sc as plsc

B = 16384
POSE = 8
VOCAB = 1500
EMB = 64
EMBP = 128
EPS = 1e-5

_NC, _NS, _L = 2, 16, 16
_NW = _NC * _NS
_BPW = B // _NW
_CH = 128
_NCH = _BPW // _CH

_BS = 8192
_NB = B // _BS


def _emb_gather(emb_table, idx2d):

    mesh = plsc.VectorSubcoreMesh(core_axis_name="c", subcore_axis_name="s")

    @functools.partial(
        pl.kernel,
        mesh=mesh,
        out_type=jax.ShapeDtypeStruct((B, EMBP), jnp.float32),
        scratch_types=[
            pltpu.VMEM((_NCH, _CH), jnp.int32),
            pltpu.VMEM((_BPW, EMBP), jnp.float32),
            pltpu.SemaphoreType.DMA,
        ],
    )
    def k(table_hbm, idx_hbm, out_hbm, idx_v, rows_v, sem):
        wid = lax.axis_index("s") * _NC + lax.axis_index("c")
        pltpu.sync_copy(idx_hbm.at[pl.ds(wid * _NCH, _NCH)], idx_v)
        handles = []
        for j in range(_NCH):
            handles.append(
                pltpu.async_copy(
                    table_hbm.at[idx_v.at[j]],
                    rows_v.at[pl.ds(j * _CH, _CH)],
                    sem,
                )
            )
        for h in handles:
            h.wait()
        pltpu.sync_copy(rows_v, out_hbm.at[pl.ds(wid * _BPW, _BPW)])

    return k(emb_table, idx2d)


def _dotb(a, b):
    return jnp.dot(a.astype(jnp.bfloat16), b.astype(jnp.bfloat16),
                   preferred_element_type=jnp.float32)


def _x1(pose_t, W1_ref, b1_ref):
    x1 = lax.dot_general(pose_t, W1_ref[...],
                         (((0,), (0,)), ((), ())),
                         preferred_element_type=jnp.float32) + b1_ref[...]
    return jnp.maximum(x1, 0.0)


def _stats_body(pose_ref, W1_ref, b1_ref, out_ref, s_s, q_s):
    i = pl.program_id(0)

    @pl.when(i == 0)
    def _init():
        s_s[...] = jnp.zeros_like(s_s)
        q_s[...] = jnp.zeros_like(q_s)

    x1 = _x1(pose_ref[...], W1_ref, b1_ref)
    s_s[...] += jnp.sum(x1, axis=0, keepdims=True)
    q_s[...] += jnp.sum(x1 * x1, axis=0, keepdims=True)

    @pl.when(i == _NB - 1)
    def _fin():
        out_ref[0:1, :] = s_s[...]
        out_ref[1:2, :] = q_s[...]


def _stats(pose_t, W1, b1, interpret=False):
    full = lambda shape: pl.BlockSpec(shape, lambda i: (0, 0))
    return pl.pallas_call(
        _stats_body,
        grid=(_NB,),
        in_specs=[
            pl.BlockSpec((POSE, _BS), lambda i: (0, i)),
            full((POSE, 128)), full((1, 128)),
        ],
        out_specs=full((2, 128)),
        out_shape=jax.ShapeDtypeStruct((2, 128), jnp.float32),
        scratch_shapes=[
            pltpu.VMEM((1, 128), jnp.float32),
            pltpu.VMEM((1, 128), jnp.float32),
        ],
        interpret=interpret,
    )(pose_t, W1, b1)


def _mlp_body(pose_ref, emb_ref, st1_ref, W1_ref, b1_ref, g1_ref, be1_ref,
              W2_ref, b2_ref, W3a_ref, W3b_ref, b3_ref, g2_ref, be2_ref,
              W4_ref, b4_ref, W5_ref, b5_ref, W6_ref, b6_ref,
              out_ref, h3_s, s2_s, q2_s):
    p = pl.program_id(0)
    i = pl.program_id(1)
    row = i * _BS

    @pl.when(p == 0)
    def _phase0():
        @pl.when(i == 0)
        def _init():
            s2_s[...] = jnp.zeros_like(s2_s)
            q2_s[...] = jnp.zeros_like(q2_s)

        m1 = st1_ref[0:1, :] * (1.0 / B)
        v1 = st1_ref[1:2, :] * (1.0 / B) - m1 * m1
        sc1 = g1_ref[...] * lax.rsqrt(v1 + EPS)
        sh1 = be1_ref[...] - m1 * sc1
        x1 = _x1(pose_ref[...], W1_ref, b1_ref) * sc1 + sh1
        x2 = _dotb(x1, W2_ref[...]) + b2_ref[...]
        x2 = jnp.maximum(x2, 0.0)
        h3 = (_dotb(x2, W3a_ref[...])
              + _dotb(emb_ref[...], W3b_ref[...])
              + b3_ref[...])
        h3 = jnp.maximum(h3, 0.0)
        h3_s[pl.ds(row, _BS), :] = h3
        s2_s[...] += jnp.sum(h3, axis=0, keepdims=True)
        q2_s[...] += jnp.sum(h3 * h3, axis=0, keepdims=True)

    @pl.when(p == 1)
    def _phase1():
        m2 = s2_s[...] * (1.0 / B)
        v2 = q2_s[...] * (1.0 / B) - m2 * m2
        sc2 = g2_ref[...] * lax.rsqrt(v2 + EPS)
        sh2 = be2_ref[...] - m2 * sc2
        h3 = h3_s[pl.ds(row, _BS), :] * sc2 + sh2
        h4 = _dotb(h3, W4_ref[...]) + b4_ref[...]
        h4 = jnp.maximum(h4, 0.0)
        h5 = _dotb(h4, W5_ref[...]) + b5_ref[...]
        h5 = jnp.maximum(h5, 0.0)
        z = lax.dot_general(W6_ref[...], h5, (((0,), (1,)), ((), ())),
                            preferred_element_type=jnp.float32) + b6_ref[...]
        out_ref[...] = jax.nn.sigmoid(z)


def _mlp(pose_t, emb, st1, W1, b1, g1, be1, W2, b2, W3a, W3b, b3, g2, be2,
         W4, b4, W5, b5, W6, b6, interpret=False):
    full = lambda shape: pl.BlockSpec(shape, lambda p, i: (0, 0))
    return pl.pallas_call(
        _mlp_body,
        grid=(2, _NB),
        in_specs=[
            pl.BlockSpec((POSE, _BS), lambda p, i: (0, jnp.where(p == 0, i, 0))),
            pl.BlockSpec((_BS, EMBP), lambda p, i: (jnp.where(p == 0, i, 0), 0)),
            full((2, 128)),
            full((POSE, 128)), full((1, 128)), full((1, 128)), full((1, 128)),
            full((128, 64)), full((1, 64)),
            full((64, 128)), full((EMBP, 128)), full((1, 128)),
            full((1, 128)), full((1, 128)),
            full((128, 64)), full((1, 64)),
            full((64, 32)), full((1, 32)),
            full((32, 1)), full((1, 1)),
        ],
        out_specs=pl.BlockSpec((1, _BS), lambda p, i: (0, jnp.where(p == 1, i, 0))),
        out_shape=jax.ShapeDtypeStruct((1, B), jnp.float32),
        scratch_shapes=[
            pltpu.VMEM((B, 128), jnp.float32),
            pltpu.VMEM((1, 128), jnp.float32),
            pltpu.VMEM((1, 128), jnp.float32),
        ],
        interpret=interpret,
    )(pose_t, emb, st1, W1, b1, g1, be1, W2, b2, W3a, W3b, b3, g2, be2,
      W4, b4, W5, b5, W6, b6)


def kernel(pose_features, exercise_id, emb_table, W1, b1, g1, be1, W2, b2,
           W3, b3, g2, be2, W4, b4, W5, b5, W6, b6):
    idx2d = exercise_id.astype(jnp.int32).reshape(_NW * _NCH, _CH)
    table_p = jnp.pad(emb_table, ((0, 0), (0, EMBP - EMB)))
    emb = _emb_gather(table_p, idx2d)
    r = lambda a: a.reshape(1, -1)
    W3b_p = jnp.pad(W3[64:], ((0, EMBP - EMB), (0, 0)))
    pose_t = pose_features.T
    st1 = _stats(pose_t, W1, r(b1))
    out_t = _mlp(pose_t, emb, st1,
                 W1, r(b1), r(g1), r(be1),
                 W2, r(b2),
                 W3[:64], W3b_p, r(b3),
                 r(g2), r(be2),
                 W4, r(b4), W5, r(b5), W6, r(b6))
    return out_t.reshape(B, 1)

# --- scband reference (transcript-rebuilt; emitter-appended) ---
"""Pipeline reference for scband-enhanced-form-analysis-nn-7301444403670 (READ-ONLY COPY).

The authoritative reference and input builder live on the scoring server;
editing this copy changes nothing except your own understanding.
"""

import jax, jax.numpy as jnp
import numpy as np

B = 16384
POSE = 8
VOCAB = 1500
EMB = 64


def _bn(x, gamma, beta, eps=1e-5):
    m = jnp.mean(x, axis=0, keepdims=True)
    v = jnp.var(x, axis=0, keepdims=True)
    return (x - m) / jnp.sqrt(v + eps) * gamma + beta


def setup_inputs(seed: int = 0):
    key = jax.random.key(seed)
    ks = jax.random.split(key, 24)
    inp = {}
    inp["pose_features"] = jax.random.normal(ks[0], (B, POSE), dtype=jnp.float32)
    inp["exercise_id"] = jax.random.randint(ks[1], (B,), 0, VOCAB)
    inp["emb_table"] = jax.random.normal(ks[2], (VOCAB, EMB), dtype=jnp.float32) * 0.05
    # pose_processor
    inp["W1"] = jax.random.normal(ks[3], (POSE, 128), dtype=jnp.float32) * (1.0 / np.sqrt(POSE))
    inp["b1"] = jnp.zeros((128,), dtype=jnp.float32)
    inp["g1"] = jnp.ones((128,), dtype=jnp.float32)
    inp["be1"] = jnp.zeros((128,), dtype=jnp.float32)
    inp["W2"] = jax.random.normal(ks[4], (128, 64), dtype=jnp.float32) * (1.0 / np.sqrt(128))
    inp["b2"] = jnp.zeros((64,), dtype=jnp.float32)
    # form_analyzer
    inp["W3"] = jax.random.normal(ks[5], (64 + EMB, 128), dtype=jnp.float32) * (1.0 / np.sqrt(64 + EMB))
    inp["b3"] = jnp.zeros((128,), dtype=jnp.float32)
    inp["g2"] = jnp.ones((128,), dtype=jnp.float32)
    inp["be2"] = jnp.zeros((128,), dtype=jnp.float32)
    inp["W4"] = jax.random.normal(ks[6], (128, 64), dtype=jnp.float32) * (1.0 / np.sqrt(128))
    inp["b4"] = jnp.zeros((64,), dtype=jnp.float32)
    inp["W5"] = jax.random.normal(ks[7], (64, 32), dtype=jnp.float32) * (1.0 / np.sqrt(64))
    inp["b5"] = jnp.zeros((32,), dtype=jnp.float32)
    inp["W6"] = jax.random.normal(ks[8], (32, 1), dtype=jnp.float32) * (1.0 / np.sqrt(32))
    inp["b6"] = jnp.zeros((1,), dtype=jnp.float32)
    return inp


def reference(pose_features, exercise_id, emb_table, W1, b1, g1, be1, W2, b2, W3, b3, g2, be2, W4, b4, W5, b5, W6, b6):
    # embedding lookup
    exercise_emb = jnp.take(emb_table, exercise_id, axis=0)
    # pose_processor: Linear -> ReLU -> BatchNorm1d -> (Dropout identity) -> Linear -> ReLU
    x = pose_features @ W1 + b1
    x = jax.nn.relu(x)
    x = _bn(x, g1, be1)
    x = x @ W2 + b2
    x = jax.nn.relu(x)
    combined = jnp.concatenate([x, exercise_emb], axis=-1)
    # form_analyzer
    h = combined @ W3 + b3
    h = jax.nn.relu(h)
    h = _bn(h, g2, be2)
    h = h @ W4 + b4
    h = jax.nn.relu(h)
    h = h @ W5 + b5
    h = jax.nn.relu(h)
    h = h @ W6 + b6
    form_score = jax.nn.sigmoid(h)
    return form_score

if __name__ == "__main__":
    import jax
    _d = setup_inputs()
    print(jax.jit(kernel)(*tuple(_d.values())))

</pallas_src>

<mosaic_0001>
#map = affine_map<(d0, d1) -> (0, 0)>
module attributes {stable_mosaic.version = 14 : i64} {
  func.func @k(%arg0: i32, %arg1: i32, %arg2: memref<1500x128xf32, #tpu.memory_space<hbm>>, %arg3: memref<128x128xi32, #tpu.memory_space<hbm>>, %arg4: memref<16384x128xf32, #tpu.memory_space<hbm>>, %arg5: memref<4x128xi32, #tpu.memory_space<vmem>>, %arg6: memref<512x128xf32, #tpu.memory_space<vmem>>, %arg7: memref<!tpu.dma_semaphore, #tpu.memory_space<semaphore_mem>>) attributes {dimension_semantics = [#tpu.dimension_semantics<core_parallel>, #tpu.dimension_semantics<subcore_parallel>], iteration_bounds = array<i64: 2, 16>, scalar_prefetch = 0 : i64, scratch_operands = 3 : i64, tpu.core_type = #tpu.core_type<sc_vector_subcore>, window_params = [{transform_indices = #map}, {transform_indices = #map}, {transform_indices = #map}]} {
    %mul3A = arith.constant 2 : i32
    %mul3A_0 = arith.muli %arg1, %mul3A : i32
    %add3A = arith.addi %mul3A_0, %arg0 : i32
    %mul3A_1 = arith.constant 4 : i32
    %mul3A_2 = arith.muli %add3A, %mul3A_1 : i32
    "tpu.region"() ({
      %run_scoped3A = tpu.sem_alloc : memref<!tpu.dma_semaphore, #tpu.memory_space<semaphore_mem>>
      %dma_start3A_83 = arith.constant 0 : i32
      %dma_start3A_84 = tpu.memref_slice %arg3[%mul3A_2, %dma_start3A_83] : memref<128x128xi32, #tpu.memory_space<hbm>> -> memref<4x128xi32, #tpu.memory_space<hbm>>
      %dma_start3A_85 = arith.constant 0 : i32
      %dma_start3A_86 = tpu.memref_slice %arg3[%mul3A_2, %dma_start3A_85] : memref<128x128xi32, #tpu.memory_space<hbm>> -> memref<4x128xi32, #tpu.memory_space<hbm>>
      tpu.enqueue_dma source(%dma_start3A_86 : memref<4x128xi32, #tpu.memory_space<hbm>>) target(%arg5 : memref<4x128xi32, #tpu.memory_space<vmem>>) target_semaphore(%run_scoped3A : memref<!tpu.dma_semaphore, #tpu.memory_space<semaphore_mem>>)
      %dma_wait3A_87 = arith.constant 0 : i32
      %dma_wait3A_88 = tpu.memref_slice %arg3[%mul3A_2, %dma_wait3A_87] : memref<128x128xi32, #tpu.memory_space<hbm>> -> memref<4x128xi32, #tpu.memory_space<hbm>>
      %dma_wait3A_89 = arith.constant 0 : i32
      %dma_wait3A_90 = tpu.memref_slice %arg3[%mul3A_2, %dma_wait3A_89] : memref<128x128xi32, #tpu.memory_space<hbm>> -> memref<4x128xi32, #tpu.memory_space<hbm>>
      tpu.wait_dma2 semaphore(%run_scoped3A : memref<!tpu.dma_semaphore, #tpu.memory_space<semaphore_mem>>) src(%dma_wait3A_90 : memref<4x128xi32, #tpu.memory_space<hbm>>) dst(%arg5 : memref<4x128xi32, #tpu.memory_space<vmem>>)
      tpu.yield
    }) : () -> ()
    %dma_start3A = arith.constant 0 : i32
    %dma_start3A_3 = arith.constant 0 : i32
    %dma_start3A_4 = arith.constant 0 : i32
    %dma_start3A_5 = tpu.memref_slice %arg6[%dma_start3A_3, %dma_start3A_4] : memref<512x128xf32, #tpu.memory_space<vmem>> -> memref<128x128xf32, #tpu.memory_space<vmem>>
    %dma_start3A_6 = arith.constant 0 : i32
    %dma_start3A_7 = tpu.memref_slice %arg5[%dma_start3A, %dma_start3A_6] : memref<4x128xi32, #tpu.memory_space<vmem>> -> memref<1x128xi32, #tpu.memory_space<vmem>>
    %dma_start3A_8 = tpu.memref_squeeze %dma_start3A_7 : memref<1x128xi32, #tpu.memory_space<vmem>> -> memref<128xi32, #tpu.memory_space<vmem>>
    %dma_start3A_9 = arith.constant 0 : i32
    %dma_start3A_10 = arith.constant 0 : i32
    %dma_start3A_11 = tpu.memref_slice %arg2[%dma_start3A_9, %dma_start3A_10] : memref<1500x128xf32, #tpu.memory_space<hbm>> -> memref<1500x128xf32, #tpu.memory_space<hbm>>
    tpu.enqueue_indirect_dma source(%dma_start3A_11 : memref<1500x128xf32, #tpu.memory_space<hbm>>) target(%dma_start3A_5 : memref<128x128xf32, #tpu.memory_space<vmem>>) offsets(%dma_start3A_8 : memref<128xi32, #tpu.memory_space<vmem>>) semaphore(%arg7 : memref<!tpu.dma_semaphore, #tpu.memory_space<semaphore_mem>>)
    %dma_start3A_12 = arith.constant 1 : i32
    %dma_start3A_13 = arith.constant 128 : i32
    %dma_start3A_14 = arith.constant 0 : i32
    %dma_start3A_15 = tpu.memref_slice %arg6[%dma_start3A_13, %dma_start3A_14] : memref<512x128xf32, #tpu.memory_space<vmem>> -> memref<128x128xf32, #tpu.memory_space<vmem>>
    %dma_start3A_16 = arith.constant 0 : i32
    %dma_start3A_17 = tpu.memref_slice %arg5[%dma_start3A_12, %dma_start3A_16] : memref<4x128xi32, #tpu.memory_space<vmem>> -> memref<1x128xi32, #tpu.memory_space<vmem>>
    %dma_start3A_18 = tpu.memref_squeeze %dma_start3A_17 : memref<1x128xi32, #tpu.memory_space<vmem>> -> memref<128xi32, #tpu.memory_space<vmem>>
    %dma_start3A_19 = arith.constant 0 : i32
    %dma_start3A_20 = arith.constant 0 : i32
    %dma_start3A_21 = tpu.memref_slice %arg2[%dma_start3A_19, %dma_start3A_20] : memref<1500x128xf32, #tpu.memory_space<hbm>> -> memref<1500x128xf32, #tpu.memory_space<hbm>>
    tpu.enqueue_indirect_dma source(%dma_start3A_21 : memref<1500x128xf32, #tpu.memory_space<hbm>>) target(%dma_start3A_15 : memref<128x128xf32, #tpu.memory_space<vmem>>) offsets(%dma_start3A_18 : memref<128xi32, #tpu.memory_space<vmem>>) semaphore(%arg7 : memref<!tpu.dma_semaphore, #tpu.memory_space<semaphore_mem>>)
    %dma_start3A_22 = arith.constant 2 : i32
    %dma_start3A_23 = arith.constant 256 : i32
    %dma_start3A_24 = arith.constant 0 : i32
    %dma_start3A_25 = tpu.memref_slice %arg6[%dma_start3A_23, %dma_start3A_24] : memref<512x128xf32, #tpu.memory_space<vmem>> -> memref<128x128xf32, #tpu.memory_space<vmem>>
    %dma_start3A_26 = arith.constant 0 : i32
    %dma_start3A_27 = tpu.memref_slice %arg5[%dma_start3A_22, %dma_start3A_26] : memref<4x128xi32, #tpu.memory_space<vmem>> -> memref<1x128xi32, #tpu.memory_space<vmem>>
    %dma_start3A_28 = tpu.memref_squeeze %dma_start3A_27 : memref<1x128xi32, #tpu.memory_space<vmem>> -> memref<128xi32, #tpu.memory_space<vmem>>
    %dma_start3A_29 = arith.constant 0 : i32
    %dma_start3A_30 = arith.constant 0 : i32
    %dma_start3A_31 = tpu.memref_slice %arg2[%dma_start3A_29, %dma_start3A_30] : memref<1500x128xf32, #tpu.memory_space<hbm>> -> memref<1500x128xf32, #tpu.memory_space<hbm>>
    tpu.enqueue_indirect_dma source(%dma_start3A_31 : memref<1500x128xf32, #tpu.memory_space<hbm>>) target(%dma_start3A_25 : memref<128x128xf32, #tpu.memory_space<vmem>>) offsets(%dma_start3A_28 : memref<128xi32, #tpu.memory_space<vmem>>) semaphore(%arg7 : memref<!tpu.dma_semaphore, #tpu.memory_space<semaphore_mem>>)
    %dma_start3A_32 = arith.constant 3 : i32
    %dma_start3A_33 = arith.constant 384 : i32
    %dma_start3A_34 = arith.constant 0 : i32
    %dma_start3A_35 = tpu.memref_slice %arg6[%dma_start3A_33, %dma_start3A_34] : memref<512x128xf32, #tpu.memory_space<vmem>> -> memref<128x128xf32, #tpu.memory_space<vmem>>
    %dma_start3A_36 = arith.constant 0 : i32
    %dma_start3A_37 = tpu.memref_slice %arg5[%dma_start3A_32, %dma_start3A_36] : memref<4x128xi32, #tpu.memory_space<vmem>> -> memref<1x128xi32, #tpu.memory_space<vmem>>
    %dma_start3A_38 = tpu.memref_squeeze %dma_start3A_37 : memref<1x128xi32, #tpu.memory_space<vmem>> -> memref<128xi32, #tpu.memory_space<vmem>>
    %dma_start3A_39 = arith.constant 0 : i32
    %dma_start3A_40 = arith.constant 0 : i32
    %dma_start3A_41 = tpu.memref_slice %arg2[%dma_start3A_39, %dma_start3A_40] : memref<1500x128xf32, #tpu.memory_space<hbm>> -> memref<1500x128xf32, #tpu.memory_space<hbm>>
    tpu.enqueue_indirect_dma source(%dma_start3A_41 : memref<1500x128xf32, #tpu.memory_space<hbm>>) target(%dma_start3A_35 : memref<128x128xf32, #tpu.memory_space<vmem>>) offsets(%dma_start3A_38 : memref<128xi32, #tpu.memory_space<vmem>>) semaphore(%arg7 : memref<!tpu.dma_semaphore, #tpu.memory_space<semaphore_mem>>)
    %dma_wait3A = arith.constant 0 : i32
    %dma_wait3A_42 = arith.constant 0 : i32
    %dma_wait3A_43 = arith.constant 0 : i32
    %dma_wait3A_44 = tpu.memref_slice %arg6[%dma_wait3A_42, %dma_wait3A_43] : memref<512x128xf32, #tpu.memory_space<vmem>> -> memref<128x128xf32, #tpu.memory_space<vmem>>
    %dma_wait3A_45 = arith.constant 0 : i32
    %dma_wait3A_46 = tpu.memref_slice %arg5[%dma_wait3A, %dma_wait3A_45] : memref<4x128xi32, #tpu.memory_space<vmem>> -> memref<1x128xi32, #tpu.memory_space<vmem>>
    %dma_wait3A_47 = tpu.memref_squeeze %dma_wait3A_46 : memref<1x128xi32, #tpu.memory_space<vmem>> -> memref<128xi32, #tpu.memory_space<vmem>>
    %dma_wait3A_48 = arith.constant 0 : i32
    %dma_wait3A_49 = arith.constant 0 : i32
    %dma_wait3A_50 = tpu.memref_slice %arg2[%dma_wait3A_48, %dma_wait3A_49] : memref<1500x128xf32, #tpu.memory_space<hbm>> -> memref<1500x128xf32, #tpu.memory_space<hbm>>
    tpu.wait_indirect_dma semaphore(%arg7 : memref<!tpu.dma_semaphore, #tpu.memory_space<semaphore_mem>>) src(%dma_wait3A_50 : memref<1500x128xf32, #tpu.memory_space<hbm>>) dst(%dma_wait3A_44 : memref<128x128xf32, #tpu.memory_space<vmem>>)
    %dma_wait3A_51 = arith.constant 1 : i32
    %dma_wait3A_52 = arith.constant 128 : i32
    %dma_wait3A_53 = arith.constant 0 : i32
    %dma_wait3A_54 = tpu.memref_slice %arg6[%dma_wait3A_52, %dma_wait3A_53] : memref<512x128xf32, #tpu.memory_space<vmem>> -> memref<128x128xf32, #tpu.memory_space<vmem>>
    %dma_wait3A_55 = arith.constant 0 : i32
    %dma_wait3A_56 = tpu.memref_slice %arg5[%dma_wait3A_51, %dma_wait3A_55] : memref<4x128xi32, #tpu.memory_space<vmem>> -> memref<1x128xi32, #tpu.memory_space<vmem>>
    %dma_wait3A_57 = tpu.memref_squeeze %dma_wait3A_56 : memref<1x128xi32, #tpu.memory_space<vmem>> -> memref<128xi32, #tpu.memory_space<vmem>>
    %dma_wait3A_58 = arith.constant 0 : i32
    %dma_wait3A_59 = arith.constant 0 : i32
    %dma_wait3A_60 = tpu.memref_slice %arg2[%dma_wait3A_58, %dma_wait3A_59] : memref<1500x128xf32, #tpu.memory_space<hbm>> -> memref<1500x128xf32, #tpu.memory_space<hbm>>
    tpu.wait_indirect_dma semaphore(%arg7 : memref<!tpu.dma_semaphore, #tpu.memory_space<semaphore_mem>>) src(%dma_wait3A_60 : memref<1500x128xf32, #tpu.memory_space<hbm>>) dst(%dma_wait3A_54 : memref<128x128xf32, #tpu.memory_space<vmem>>)
    %dma_wait3A_61 = arith.constant 2 : i32
    %dma_wait3A_62 = arith.constant 256 : i32
    %dma_wait3A_63 = arith.constant 0 : i32
    %dma_wait3A_64 = tpu.memref_slice %arg6[%dma_wait3A_62, %dma_wait3A_63] : memref<512x128xf32, #tpu.memory_space<vmem>> -> memref<128x128xf32, #tpu.memory_space<vmem>>
    %dma_wait3A_65 = arith.constant 0 : i32
    %dma_wait3A_66 = tpu.memref_slice %arg5[%dma_wait3A_61, %dma_wait3A_65] : memref<4x128xi32, #tpu.memory_space<vmem>> -> memref<1x128xi32, #tpu.memory_space<vmem>>
    %dma_wait3A_67 = tpu.memref_squeeze %dma_wait3A_66 : memref<1x128xi32, #tpu.memory_space<vmem>> -> memref<128xi32, #tpu.memory_space<vmem>>
    %dma_wait3A_68 = arith.constant 0 : i32
    %dma_wait3A_69 = arith.constant 0 : i32
    %dma_wait3A_70 = tpu.memref_slice %arg2[%dma_wait3A_68, %dma_wait3A_69] : memref<1500x128xf32, #tpu.memory_space<hbm>> -> memref<1500x128xf32, #tpu.memory_space<hbm>>
    tpu.wait_indirect_dma semaphore(%arg7 : memref<!tpu.dma_semaphore, #tpu.memory_space<semaphore_mem>>) src(%dma_wait3A_70 : memref<1500x128xf32, #tpu.memory_space<hbm>>) dst(%dma_wait3A_64 : memref<128x128xf32, #tpu.memory_space<vmem>>)
    %dma_wait3A_71 = arith.constant 3 : i32
    %dma_wait3A_72 = arith.constant 384 : i32
    %dma_wait3A_73 = arith.constant 0 : i32
    %dma_wait3A_74 = tpu.memref_slice %arg6[%dma_wait3A_72, %dma_wait3A_73] : memref<512x128xf32, #tpu.memory_space<vmem>> -> memref<128x128xf32, #tpu.memory_space<vmem>>
    %dma_wait3A_75 = arith.constant 0 : i32
    %dma_wait3A_76 = tpu.memref_slice %arg5[%dma_wait3A_71, %dma_wait3A_75] : memref<4x128xi32, #tpu.memory_space<vmem>> -> memref<1x128xi32, #tpu.memory_space<vmem>>
    %dma_wait3A_77 = tpu.memref_squeeze %dma_wait3A_76 : memref<1x128xi32, #tpu.memory_space<vmem>> -> memref<128xi32, #tpu.memory_space<vmem>>
    %dma_wait3A_78 = arith.constant 0 : i32
    %dma_wait3A_79 = arith.constant 0 : i32
    %dma_wait3A_80 = tpu.memref_slice %arg2[%dma_wait3A_78, %dma_wait3A_79] : memref<1500x128xf32, #tpu.memory_space<hbm>> -> memref<1500x128xf32, #tpu.memory_space<hbm>>
    tpu.wait_indirect_dma semaphore(%arg7 : memref<!tpu.dma_semaphore, #tpu.memory_space<semaphore_mem>>) src(%dma_wait3A_80 : memref<1500x128xf32, #tpu.memory_space<hbm>>) dst(%dma_wait3A_74 : memref<128x128xf32, #tpu.memory_space<vmem>>)
    %mul3A_81 = arith.constant 512 : i32
    %mul3A_82 = arith.muli %add3A, %mul3A_81 : i32
    "tpu.region"() ({
      %run_scoped3A = tpu.sem_alloc : memref<!tpu.dma_semaphore, #tpu.memory_space<semaphore_mem>>
      %dma_start3A_83 = arith.constant 0 : i32
      %dma_start3A_84 = tpu.memref_slice %arg4[%mul3A_82, %dma_start3A_83] : memref<16384x128xf32, #tpu.memory_space<hbm>> -> memref<512x128xf32, #tpu.memory_space<hbm>>
      %dma_start3A_85 = arith.constant 0 : i32
      %dma_start3A_86 = tpu.memref_slice %arg4[%mul3A_82, %dma_start3A_85] : memref<16384x128xf32, #tpu.memory_space<hbm>> -> memref<512x128xf32, #tpu.memory_space<hbm>>
      tpu.enqueue_dma source(%arg6 : memref<512x128xf32, #tpu.memory_space<vmem>>) target(%dma_start3A_86 : memref<512x128xf32, #tpu.memory_space<hbm>>) target_semaphore(%run_scoped3A : memref<!tpu.dma_semaphore, #tpu.memory_space<semaphore_mem>>)
      %dma_wait3A_87 = arith.constant 0 : i32
      %dma_wait3A_88 = tpu.memref_slice %arg4[%mul3A_82, %dma_wait3A_87] : memref<16384x128xf32, #tpu.memory_space<hbm>> -> memref<512x128xf32, #tpu.memory_space<hbm>>
      %dma_wait3A_89 = arith.constant 0 : i32
      %dma_wait3A_90 = tpu.memref_slice %arg4[%mul3A_82, %dma_wait3A_89] : memref<16384x128xf32, #tpu.memory_space<hbm>> -> memref<512x128xf32, #tpu.memory_space<hbm>>
      tpu.wait_dma2 semaphore(%run_scoped3A : memref<!tpu.dma_semaphore, #tpu.memory_space<semaphore_mem>>) src(%arg6 : memref<512x128xf32, #tpu.memory_space<vmem>>) dst(%dma_wait3A_90 : memref<512x128xf32, #tpu.memory_space<hbm>>)
      tpu.yield
    }) : () -> ()
    return
  }
}

module attributes {stable_mosaic.version = 14 : i64} {
  func.func @_stats_body(%arg0: i32, %arg1: memref<8x8192xf32, #tpu.memory_space<vmem>>, %arg2: memref<8x128xf32, #tpu.memory_space<vmem>>, %arg3: memref<1x128xf32, #tpu.memory_space<vmem>>, %arg4: memref<2x128xf32, #tpu.memory_space<vmem>>, %arg5: memref<1x128xf32, #tpu.memory_space<vmem>>, %arg6: memref<1x128xf32, #tpu.memory_space<vmem>>) attributes {dimension_semantics = [#tpu.dimension_semantics<arbitrary>], iteration_bounds = array<i64: 2>, scalar_prefetch = 0 : i64, scratch_operands = 2 : i64, tpu.core_type = #tpu.core_type<tc>, window_params = [{transform_indices = @transform_0, window_bounds = array<i64: 8, 8192>}, {pipeline_mode = #tpu.pipeline_mode<synchronous>, transform_indices = @transform_1, window_bounds = array<i64: 8, 128>}, {pipeline_mode = #tpu.pipeline_mode<synchronous>, transform_indices = @transform_2, window_bounds = array<i64: 1, 128>}, {pipeline_mode = #tpu.pipeline_mode<synchronous>, transform_indices = @transform_3, window_bounds = array<i64: 2, 128>}]} {
    %eq3A = arith.constant 0 : i32
    %eq3A_0 = arith.cmpi eq, %arg0, %eq3A : i32
    %convert_element_type3A = arith.extui %eq3A_0 : i1 to i32
    %cond3A = arith.constant 0 : i32
    %cond3A_1 = arith.cmpi ne, %convert_element_type3A, %cond3A : i32
    scf.if %cond3A_1 {
      %broadcast_in_dim3A_36 = arith.constant 0.000000e+00 : f32
      %broadcast_in_dim3A_37 = vector.broadcast %broadcast_in_dim3A_36 : f32 to vector<1x128xf32>
      %swap3A_38 = arith.constant 0 : index
      %swap3A_39 = arith.constant 0 : index
      %swap3A_40 = vector.load %arg5[%swap3A_38, %swap3A_39] : memref<1x128xf32, #tpu.memory_space<vmem>>, vector<1x128xf32>
      tpu.vector_store %arg5[%swap3A_38, %swap3A_39], %broadcast_in_dim3A_37 {strides = array<i32>} : memref<1x128xf32, #tpu.memory_space<vmem>>, vector<1x128xf32>,
      %broadcast_in_dim3A_41 = arith.constant 0.000000e+00 : f32
      %broadcast_in_dim3A_42 = vector.broadcast %broadcast_in_dim3A_41 : f32 to vector<1x128xf32>
      %swap3A_43 = arith.constant 0 : index
      %swap3A_44 = arith.constant 0 : index
      %swap3A_45 = vector.load %arg6[%swap3A_43, %swap3A_44] : memref<1x128xf32, #tpu.memory_space<vmem>>, vector<1x128xf32>
      tpu.vector_store %arg6[%swap3A_43, %swap3A_44], %broadcast_in_dim3A_42 {strides = array<i32>} : memref<1x128xf32, #tpu.memory_space<vmem>>, vector<1x128xf32>,
    } else {
    }
    %get3A = arith.constant 0 : index
    %get3A_2 = arith.constant 0 : index
    %get3A_3 = vector.load %arg1[%get3A, %get3A_2] : memref<8x8192xf32, #tpu.memory_space<vmem>>, vector<8x8192xf32>
    %get3A_4 = arith.constant 0 : index
    %get3A_5 = arith.constant 0 : index
    %get3A_6 = vector.load %arg2[%get3A_4, %get3A_5] : memref<8x128xf32, #tpu.memory_space<vmem>>, vector<8x128xf32>
    %dot_general3A = arith.constant dense<0.000000e+00> : vector<8192x128xf32>
    %dot_general3A_7 = tpu.matmul %get3A_3, %get3A_6, %dot_general3A {dimension_numbers = #tpu.dot_dimension_numbers<[0], [0], [1], [1], [0, 1, 1, 1], [], []>, transpose_lhs_hint = false} : vector<8x8192xf32>, vector<8x128xf32>, vector<8192x128xf32> -> vector<8192x128xf32>
    %get3A_8 = arith.constant 0 : index
    %get3A_9 = arith.constant 0 : index
    %get3A_10 = vector.load %arg3[%get3A_8, %get3A_9] : memref<1x128xf32, #tpu.memory_space<vmem>>, vector<1x128xf32>
    %add3A = vector.broadcast %get3A_10 : vector<1x128xf32> to vector<8192x128xf32>
    %add3A_11 = arith.addf %dot_general3A_7, %add3A : vector<8192x128xf32>
    %max3A = arith.constant 0.000000e+00 : f32
    %max3A_12 = vector.broadcast %max3A : f32 to vector<8192x128xf32>
    %max3A_13 = arith.maximumf %add3A_11, %max3A_12 : vector<8192x128xf32>
    %get3A_14 = arith.constant 0 : index
    %get3A_15 = arith.constant 0 : index
    %get3A_16 = vector.load %arg5[%get3A_14, %get3A_15] : memref<1x128xf32, #tpu.memory_space<vmem>>, vector<1x128xf32>
    %reduce_sum3A = arith.constant dense<0.000000e+00> : vector<128xf32>
    %reduce_sum3A_17 = vector.multi_reduction <add>, %max3A_13, %reduce_sum3A [0] : vector<8192x128xf32> to vector<128xf32>
    %broadcast_in_dim3A = vector.shape_cast %reduce_sum3A_17 : vector<128xf32> to vector<1x128xf32>
    %add3A_18 = arith.addf %get3A_16, %broadcast_in_dim3A : vector<1x128xf32>
    %swap3A = arith.constant 0 : index
    %swap3A_19 = arith.constant 0 : index
    %swap3A_20 = vector.load %arg5[%swap3A, %swap3A_19] : memref<1x128xf32, #tpu.memory_space<vmem>>, vector<1x128xf32>
    tpu.vector_store %arg5[%swap3A, %swap3A_19], %add3A_18 {strides = array<i32>} : memref<1x128xf32, #tpu.memory_space<vmem>>, vector<1x128xf32>,
    %get3A_21 = arith.constant 0 : index
    %get3A_22 = arith.constant 0 : index
    %get3A_23 = vector.load %arg6[%get3A_21, %get3A_22] : memref<1x128xf32, #tpu.memory_space<vmem>>, vector<1x128xf32>
    %mul3A = arith.mulf %max3A_13, %max3A_13 : vector<8192x128xf32>
    %reduce_sum3A_24 = arith.constant dense<0.000000e+00> : vector<128xf32>
    %reduce_sum3A_25 = vector.multi_reduction <add>, %mul3A, %reduce_sum3A_24 [0] : vector<8192x128xf32> to vector<128xf32>
    %broadcast_in_dim3A_26 = vector.shape_cast %reduce_sum3A_25 : vector<128xf32> to vector<1x128xf32>
    %add3A_27 = arith.addf %get3A_23, %broadcast_in_dim3A_26 : vector<1x128xf32>
    %swap3A_28 = arith.constant 0 : index
    %swap3A_29 = arith.constant 0 : index
    %swap3A_30 = vector.load %arg6[%swap3A_28, %swap3A_29] : memref<1x128xf32, #tpu.memory_space<vmem>>, vector<1x128xf32>
    tpu.vector_store %arg6[%swap3A_28, %swap3A_29], %add3A_27 {strides = array<i32>} : memref<1x128xf32, #tpu.memory_space<vmem>>, vector<1x128xf32>,
    %eq3A_31 = arith.constant 1 : i32
    %eq3A_32 = arith.cmpi eq, %arg0, %eq3A_31 : i32
    %convert_element_type3A_33 = arith.extui %eq3A_32 : i1 to i32
    %cond3A_34 = arith.constant 0 : i32
    %cond3A_35 = arith.cmpi ne, %convert_element_type3A_33, %cond3A_34 : i32
    scf.if %cond3A_35 {
      %get3A_36 = arith.constant 0 : index
      %get3A_37 = arith.constant 0 : index
      %get3A_38 = vector.load %arg5[%get3A_36, %get3A_37] : memref<1x128xf32, #tpu.memory_space<vmem>>, vector<1x128xf32>
      %swap3A_39 = arith.constant 0 : index
      %swap3A_40 = arith.constant 0 : index
      %swap3A_41 = vector.load %arg4[%swap3A_39, %swap3A_40] : memref<2x128xf32, #tpu.memory_space<vmem>>, vector<1x128xf32>
      tpu.vector_store %arg4[%swap3A_39, %swap3A_40], %get3A_38 {strides = array<i32>} : memref<2x128xf32, #tpu.memory_space<vmem>>, vector<1x128xf32>,
      %get3A_42 = arith.constant 0 : index
      %get3A_43 = arith.constant 0 : index
      %get3A_44 = vector.load %arg6[%get3A_42, %get3A_43] : memref<1x128xf32, #tpu.memory_space<vmem>>, vector<1x128xf32>
      %swap3A_45 = arith.constant 1 : index
      %swap3A_46 = arith.constant 0 : index
      %swap3A_47 = vector.load %arg4[%swap3A_45, %swap3A_46] : memref<2x128xf32, #tpu.memory_space<vmem>>, vector<1x128xf32>
      tpu.vector_store %arg4[%swap3A_45, %swap3A_46], %get3A_44 {strides = array<i32>} : memref<2x128xf32, #tpu.memory_space<vmem>>, vector<1x128xf32>,
    } else {
    }
    return
  }
  func.func @transform_0(%arg0: i32) -> (i32, i32) {
    %c0_i32 = arith.constant 0 : i32
    %c0_i32_0 = arith.constant 0 : i32
    return %c0_i32, %arg0 : i32, i32
  }
  func.func @transform_1(%arg0: i32) -> (i32, i32) {
    %c0_i32 = arith.constant 0 : i32
    %c0_i32_0 = arith.constant 0 : i32
    %c0_i32_1 = arith.constant 0 : i32
    return %c0_i32, %c0_i32_0 : i32, i32
  }
  func.func @transform_2(%arg0: i32) -> (i32, i32) {
    %c0_i32 = arith.constant 0 : i32
    %c0_i32_0 = arith.constant 0 : i32
    %c0_i32_1 = arith.constant 0 : i32
    return %c0_i32, %c0_i32_0 : i32, i32
  }
  func.func @transform_3(%arg0: i32) -> (i32, i32) {
    %c0_i32 = arith.constant 0 : i32
    %c0_i32_0 = arith.constant 0 : i32
    %c0_i32_1 = arith.constant 0 : i32
    return %c0_i32, %c0_i32_0 : i32, i32
  }
}

module attributes {stable_mosaic.version = 14 : i64} {
  func.func @_mlp_body(%arg0: i32, %arg1: i32, %arg2: memref<8x8192xf32, #tpu.memory_space<vmem>>, %arg3: memref<8192x128xf32, #tpu.memory_space<vmem>>, %arg4: memref<2x128xf32, #tpu.memory_space<vmem>>, %arg5: memref<8x128xf32, #tpu.memory_space<vmem>>, %arg6: memref<1x128xf32, #tpu.memory_space<vmem>>, %arg7: memref<1x128xf32, #tpu.memory_space<vmem>>, %arg8: memref<1x128xf32, #tpu.memory_space<vmem>>, %arg9: memref<128x64xf32, #tpu.memory_space<vmem>>, %arg10: memref<1x64xf32, #tpu.memory_space<vmem>>, %arg11: memref<64x128xf32, #tpu.memory_space<vmem>>, %arg12: memref<128x128xf32, #tpu.memory_space<vmem>>, %arg13: memref<1x128xf32, #tpu.memory_space<vmem>>, %arg14: memref<1x128xf32, #tpu.memory_space<vmem>>, %arg15: memref<1x128xf32, #tpu.memory_space<vmem>>, %arg16: memref<128x64xf32, #tpu.memory_space<vmem>>, %arg17: memref<1x64xf32, #tpu.memory_space<vmem>>, %arg18: memref<64x32xf32, #tpu.memory_space<vmem>>, %arg19: memref<1x32xf32, #tpu.memory_space<vmem>>, %arg20: memref<32x1xf32, #tpu.memory_space<vmem>>, %arg21: memref<1x1xf32, #tpu.memory_space<vmem>>, %arg22: memref<1x8192xf32, #tpu.memory_space<vmem>>, %arg23: memref<16384x128xf32, #tpu.memory_space<vmem>>, %arg24: memref<1x128xf32, #tpu.memory_space<vmem>>, %arg25: memref<1x128xf32, #tpu.memory_space<vmem>>) attributes {dimension_semantics = [#tpu.dimension_semantics<arbitrary>, #tpu.dimension_semantics<arbitrary>], iteration_bounds = array<i64: 2, 2>, scalar_prefetch = 0 : i64, scratch_operands = 3 : i64, tpu.core_type = #tpu.core_type<tc>, window_params = [{transform_indices = @transform_0, window_bounds = array<i64: 8, 8192>}, {transform_indices = @transform_1, window_bounds = array<i64: 8192, 128>}, {pipeline_mode = #tpu.pipeline_mode<synchronous>, transform_indices = @transform_2, window_bounds = array<i64: 2, 128>}, {pipeline_mode = #tpu.pipeline_mode<synchronous>, transform_indices = @transform_3, window_bounds = array<i64: 8, 128>}, {pipeline_mode = #tpu.pipeline_mode<synchronous>, transform_indices = @transform_4, window_bounds = array<i64: 1, 128>}, {pipeline_mode = #tpu.pipeline_mode<synchronous>, transform_indices = @transform_5, window_bounds = array<i64: 1, 128>}, {pipeline_mode = #tpu.pipeline_mode<synchronous>, transform_indices = @transform_6, window_bounds = array<i64: 1, 128>}, {pipeline_mode = #tpu.pipeline_mode<synchronous>, transform_indices = @transform_7, window_bounds = array<i64: 128, 64>}, {pipeline_mode = #tpu.pipeline_mode<synchronous>, transform_indices = @transform_8, window_bounds = array<i64: 1, 64>}, {pipeline_mode = #tpu.pipeline_mode<synchronous>, transform_indices = @transform_9, window_bounds = array<i64: 64, 128>}, {pipeline_mode = #tpu.pipeline_mode<synchronous>, transform_indices = @transform_10, window_bounds = array<i64: 128, 128>}, {pipeline_mode = #tpu.pipeline_mode<synchronous>, transform_indices = @transform_11, window_bounds = array<i64: 1, 128>}, {pipeline_mode = #tpu.pipeline_mode<synchronous>, transform_indices = @transform_12, window_bounds = array<i64: 1, 128>}, {pipeline_mode = #tpu.pipeline_mode<synchronous>, transform_indices = @transform_13, window_bounds = array<i64: 1, 128>}, {pipeline_mode = #tpu.pipeline_mode<synchronous>, transform_indices = @transform_14, window_bounds = array<i64: 128, 64>}, {pipeline_mode = #tpu.pipeline_mode<synchronous>, transform_indices = @transform_15, window_bounds = array<i64: 1, 64>}, {pipeline_mode = #tpu.pipeline_mode<synchronous>, transform_indices = @transform_16, window_bounds = array<i64: 64, 32>}, {pipeline_mode = #tpu.pipeline_mode<synchronous>, transform_indices = @transform_17, window_bounds = array<i64: 1, 32>}, {pipeline_mode = #tpu.pipeline_mode<synchronous>, transform_indices = @transform_18, window_bounds = array<i64: 32, 1>}, {pipeline_mode = #tpu.pipeline_mode<synchronous>, transform_indices = @transform_19, window_bounds = array<i64: 1, 1>}, {transform_indices = @transform_20, window_bounds = array<i64: 1, 8192>}]} {
    %mul3A = arith.constant 8192 : i32
    %mul3A_0 = arith.muli %arg1, %mul3A : i32
    %eq3A = arith.constant 0 : i32
    %eq3A_1 = arith.cmpi eq, %arg0, %eq3A : i32
    %convert_element_type3A = arith.extui %eq3A_1 : i1 to i32
    %cond3A = arith.constant 0 : i32
    %cond3A_2 = arith.cmpi ne, %convert_element_type3A, %cond3A : i32
    scf.if %cond3A_2 {
      %eq3A_8 = arith.constant 0 : i32
      %eq3A_9 = arith.cmpi eq, %arg1, %eq3A_8 : i32
      %convert_element_type3A_10 = arith.extui %eq3A_9 : i1 to i32
      %cond3A_11 = arith.constant 0 : i32
      %cond3A_12 = arith.cmpi ne, %convert_element_type3A_10, %cond3A_11 : i32
      scf.if %cond3A_12 {
        %broadcast_in_dim3A_116 = arith.constant 0.000000e+00 : f32
        %broadcast_in_dim3A_117 = vector.broadcast %broadcast_in_dim3A_116 : f32 to vector<1x128xf32>
        %swap3A_118 = arith.constant 0 : index
        %swap3A_119 = arith.constant 0 : index
        %swap3A_120 = vector.load %arg24[%swap3A_118, %swap3A_119] : memref<1x128xf32, #tpu.memory_space<vmem>>, vector<1x128xf32>
        tpu.vector_store %arg24[%swap3A_118, %swap3A_119], %broadcast_in_dim3A_117 {strides = array<i32>} : memref<1x128xf32, #tpu.memory_space<vmem>>, vector<1x128xf32>,
        %broadcast_in_dim3A_121 = arith.constant 0.000000e+00 : f32
        %broadcast_in_dim3A_122 = vector.broadcast %broadcast_in_dim3A_121 : f32 to vector<1x128xf32>
        %swap3A_123 = arith.constant 0 : index
        %swap3A_124 = arith.constant 0 : index
        %swap3A_125 = vector.load %arg25[%swap3A_123, %swap3A_124] : memref<1x128xf32, #tpu.memory_space<vmem>>, vector<1x128xf32>
        tpu.vector_store %arg25[%swap3A_123, %swap3A_124], %broadcast_in_dim3A_122 {strides = array<i32>} : memref<1x128xf32, #tpu.memory_space<vmem>>, vector<1x128xf32>,
      } else {
      }
      %get3A = arith.constant 0 : index
      %get3A_13 = arith.constant 0 : index
      %get3A_14 = vector.load %arg4[%get3A, %get3A_13] : memref<2x128xf32, #tpu.memory_space<vmem>>, vector<1x128xf32>
      %mul3A_15 = arith.constant 6.10351563E-5 : f32
      %mul3A_16 = vector.broadcast %mul3A_15 : f32 to vector<1x128xf32>
      %mul3A_17 = arith.mulf %get3A_14, %mul3A_16 : vector<1x128xf32>
      %get3A_18 = arith.constant 1 : index
      %get3A_19 = arith.constant 0 : index
      %get3A_20 = vector.load %arg4[%get3A_18, %get3A_19] : memref<2x128xf32, #tpu.memory_space<vmem>>, vector<1x128xf32>
      %mul3A_21 = arith.constant 6.10351563E-5 : f32
      %mul3A_22 = vector.broadcast %mul3A_21 : f32 to vector<1x128xf32>
      %mul3A_23 = arith.mulf %get3A_20, %mul3A_22 : vector<1x128xf32>
      %mul3A_24 = arith.mulf %mul3A_17, %mul3A_17 : vector<1x128xf32>
      %sub3A = arith.subf %mul3A_23, %mul3A_24 : vector<1x128xf32>
      %get3A_25 = arith.constant 0 : index
      %get3A_26 = arith.constant 0 : index
      %get3A_27 = vector.load %arg7[%get3A_25, %get3A_26] : memref<1x128xf32, #tpu.memory_space<vmem>>, vector<1x128xf32>
      %add3A = arith.constant 9.99999974E-6 : f32
      %add3A_28 = vector.broadcast %add3A : f32 to vector<1x128xf32>
      %add3A_29 = arith.addf %sub3A, %add3A_28 : vector<1x128xf32>
      %rsqrt3A = math.rsqrt %add3A_29 : vector<1x128xf32>
      %mul3A_30 = arith.mulf %get3A_27, %rsqrt3A : vector<1x128xf32>
      %get3A_31 = arith.constant 0 : index
      %get3A_32 = arith.constant 0 : index
      %get3A_33 = vector.load %arg8[%get3A_31, %get3A_32] : memref<1x128xf32, #tpu.memory_space<vmem>>, vector<1x128xf32>
      %mul3A_34 = arith.mulf %mul3A_17, %mul3A_30 : vector<1x128xf32>
      %sub3A_35 = arith.subf %get3A_33, %mul3A_34 : vector<1x128xf32>
      %get3A_36 = arith.constant 0 : index
      %get3A_37 = arith.constant 0 : index
      %get3A_38 = vector.load %arg2[%get3A_36, %get3A_37] : memref<8x8192xf32, #tpu.memory_space<vmem>>, vector<8x8192xf32>
      %get3A_39 = arith.constant 0 : index
      %get3A_40 = arith.constant 0 : index
      %get3A_41 = vector.load %arg5[%get3A_39, %get3A_40] : memref<8x128xf32, #tpu.memory_space<vmem>>, vector<8x128xf32>
      %dot_general3A = arith.constant dense<0.000000e+00> : vector<8192x128xf32>
      %dot_general3A_42 = tpu.matmul %get3A_38, %get3A_41, %dot_general3A {dimension_numbers = #tpu.dot_dimension_numbers<[0], [0], [1], [1], [0, 1, 1, 1], [], []>, transpose_lhs_hint = false} : vector<8x8192xf32>, vector<8x128xf32>, vector<8192x128xf32> -> vector<8192x128xf32>
      %get3A_43 = arith.constant 0 : index
      %get3A_44 = arith.constant 0 : index
      %get3A_45 = vector.load %arg6[%get3A_43, %get3A_44] : memref<1x128xf32, #tpu.memory_space<vmem>>, vector<1x128xf32>
      %add3A_46 = vector.broadcast %get3A_45 : vector<1x128xf32> to vector<8192x128xf32>
      %add3A_47 = arith.addf %dot_general3A_42, %add3A_46 : vector<8192x128xf32>
      %max3A = arith.constant 0.000000e+00 : f32
      %max3A_48 = vector.broadcast %max3A : f32 to vector<8192x128xf32>
      %max3A_49 = arith.maximumf %add3A_47, %max3A_48 : vector<8192x128xf32>
      %mul3A_50 = vector.broadcast %mul3A_30 : vector<1x128xf32> to vector<8192x128xf32>
      %mul3A_51 = arith.mulf %max3A_49, %mul3A_50 : vector<8192x128xf32>
      %add3A_52 = vector.broadcast %sub3A_35 : vector<1x128xf32> to vector<8192x128xf32>
      %add3A_53 = arith.addf %mul3A_51, %add3A_52 : vector<8192x128xf32>
      %get3A_54 = arith.constant 0 : index
      %get3A_55 = arith.constant 0 : index
      %get3A_56 = vector.load %arg9[%get3A_54, %get3A_55] : memref<128x64xf32, #tpu.memory_space<vmem>>, vector<128x64xf32>
      %convert_element_type3A_57 = arith.truncf %add3A_53 : vector<8192x128xf32> to vector<8192x128xbf16>
      %convert_element_type3A_58 = arith.truncf %get3A_56 : vector<128x64xf32> to vector<128x64xbf16>
      %dot_general3A_59 = arith.constant dense<0.000000e+00> : vector<8192x64xf32>
      %dot_general3A_60 = tpu.matmul %convert_element_type3A_57, %convert_element_type3A_58, %dot_general3A_59 {dimension_numbers = #tpu.dot_dimension_numbers<[1], [0], [0], [1], [0, 0, 1, 1], [], []>, transpose_lhs_hint = false} : vector<8192x128xbf16>, vector<128x64xbf16>, vector<8192x64xf32> -> vector<8192x64xf32>
      %get3A_61 = arith.constant 0 : index
      %get3A_62 = arith.constant 0 : index
      %get3A_63 = vector.load %arg10[%get3A_61, %get3A_62] : memref<1x64xf32, #tpu.memory_space<vmem>>, vector<1x64xf32>
      %add3A_64 = vector.broadcast %get3A_63 : vector<1x64xf32> to vector<8192x64xf32>
      %add3A_65 = arith.addf %dot_general3A_60, %add3A_64 : vector<8192x64xf32>
      %max3A_66 = arith.constant 0.000000e+00 : f32
      %max3A_67 = vector.broadcast %max3A_66 : f32 to vector<8192x64xf32>
      %max3A_68 = arith.maximumf %add3A_65, %max3A_67 : vector<8192x64xf32>
      %get3A_69 = arith.constant 0 : index
      %get3A_70 = arith.constant 0 : index
      %get3A_71 = vector.load %arg11[%get3A_69, %get3A_70] : memref<64x128xf32, #tpu.memory_space<vmem>>, vector<64x128xf32>
      %convert_element_type3A_72 = arith.truncf %max3A_68 : vector<8192x64xf32> to vector<8192x64xbf16>
      %convert_element_type3A_73 = arith.truncf %get3A_71 : vector<64x128xf32> to vector<64x128xbf16>
      %dot_general3A_74 = arith.constant dense<0.000000e+00> : vector<8192x128xf32>
      %dot_general3A_75 = tpu.matmul %convert_element_type3A_72, %convert_element_type3A_73, %dot_general3A_74 {dimension_numbers = #tpu.dot_dimension_numbers<[1], [0], [0], [1], [0, 0, 1, 1], [], []>, transpose_lhs_hint = false} : vector<8192x64xbf16>, vector<64x128xbf16>, vector<8192x128xf32> -> vector<8192x128xf32>
      %get3A_76 = arith.constant 0 : index
      %get3A_77 = arith.constant 0 : index
      %get3A_78 = vector.load %arg3[%get3A_76, %get3A_77] : memref<8192x128xf32, #tpu.memory_space<vmem>>, vector<8192x128xf32>
      %get3A_79 = arith.constant 0 : index
      %get3A_80 = arith.constant 0 : index
      %get3A_81 = vector.load %arg12[%get3A_79, %get3A_80] : memref<128x128xf32, #tpu.memory_space<vmem>>, vector<128x128xf32>
      %convert_element_type3A_82 = arith.truncf %get3A_78 : vector<8192x128xf32> to vector<8192x128xbf16>
      %convert_element_type3A_83 = arith.truncf %get3A_81 : vector<128x128xf32> to vector<128x128xbf16>
      %dot_general3A_84 = arith.constant dense<0.000000e+00> : vector<8192x128xf32>
      %dot_general3A_85 = tpu.matmul %convert_element_type3A_82, %convert_element_type3A_83, %dot_general3A_84 {dimension_numbers = #tpu.dot_dimension_numbers<[1], [0], [0], [1], [0, 0, 1, 1], [], []>, transpose_lhs_hint = false} : vector<8192x128xbf16>, vector<128x128xbf16>, vector<8192x128xf32> -> vector<8192x128xf32>
      %add3A_86 = arith.addf %dot_general3A_75, %dot_general3A_85 : vector<8192x128xf32>
      %get3A_87 = arith.constant 0 : index
      %get3A_88 = arith.constant 0 : index
      %get3A_89 = vector.load %arg13[%get3A_87, %get3A_88] : memref<1x128xf32, #tpu.memory_space<vmem>>, vector<1x128xf32>
      %add3A_90 = vector.broadcast %get3A_89 : vector<1x128xf32> to vector<8192x128xf32>
      %add3A_91 = arith.addf %add3A_86, %add3A_90 : vector<8192x128xf32>
      %max3A_92 = arith.constant 0.000000e+00 : f32
      %max3A_93 = vector.broadcast %max3A_92 : f32 to vector<8192x128xf32>
      %max3A_94 = arith.maximumf %add3A_91, %max3A_93 : vector<8192x128xf32>
      %swap3A = arith.index_cast %mul3A_0 : i32 to index
      %swap3A_95 = arith.constant 0 : index
      %swap3A_96 = vector.load %arg23[%swap3A, %swap3A_95] : memref<16384x128xf32, #tpu.memory_space<vmem>>, vector<8192x128xf32>
      tpu.vector_store %arg23[%swap3A, %swap3A_95], %max3A_94 {strides = array<i32>} : memref<16384x128xf32, #tpu.memory_space<vmem>>, vector<8192x128xf32>,
      %get3A_97 = arith.constant 0 : index
      %get3A_98 = arith.constant 0 : index
      %get3A_99 = vector.load %arg24[%get3A_97, %get3A_98] : memref<1x128xf32, #tpu.memory_space<vmem>>, vector<1x128xf32>
      %reduce_sum3A = arith.constant dense<0.000000e+00> : vector<128xf32>
      %reduce_sum3A_100 = vector.multi_reduction <add>, %max3A_94, %reduce_sum3A [0] : vector<8192x128xf32> to vector<128xf32>
      %broadcast_in_dim3A = vector.shape_cast %reduce_sum3A_100 : vector<128xf32> to vector<1x128xf32>
      %add3A_101 = arith.addf %get3A_99, %broadcast_in_dim3A : vector<1x128xf32>
      %swap3A_102 = arith.constant 0 : index
      %swap3A_103 = arith.constant 0 : index
      %swap3A_104 = vector.load %arg24[%swap3A_102, %swap3A_103] : memref<1x128xf32, #tpu.memory_space<vmem>>, vector<1x128xf32>
      tpu.vector_store %arg24[%swap3A_102, %swap3A_103], %add3A_101 {strides = array<i32>} : memref<1x128xf32, #tpu.memory_space<vmem>>, vector<1x128xf32>,
      %get3A_105 = arith.constant 0 : index
      %get3A_106 = arith.constant 0 : index
      %get3A_107 = vector.load %arg25[%get3A_105, %get3A_106] : memref<1x128xf32, #tpu.memory_space<vmem>>, vector<1x128xf32>
      %mul3A_108 = arith.mulf %max3A_94, %max3A_94 : vector<8192x128xf32>
      %reduce_sum3A_109 = arith.constant dense<0.000000e+00> : vector<128xf32>
      %reduce_sum3A_110 = vector.multi_reduction <add>, %mul3A_108, %reduce_sum3A_109 [0] : vector<8192x128xf32> to vector<128xf32>
      %broadcast_in_dim3A_111 = vector.shape_cast %reduce_sum3A_110 : vector<128xf32> to vector<1x128xf32>
      %add3A_112 = arith.addf %get3A_107, %broadcast_in_dim3A_111 : vector<1x128xf32>
      %swap3A_113 = arith.constant 0 : index
      %swap3A_114 = arith.constant 0 : index
      %swap3A_115 = vector.load %arg25[%swap3A_113, %swap3A_114] : memref<1x128xf32, #tpu.memory_space<vmem>>, vector<1x128xf32>
      tpu.vector_store %arg25[%swap3A_113, %swap3A_114], %add3A_112 {strides = array<i32>} : memref<1x128xf32, #tpu.memory_space<vmem>>, vector<1x128xf32>,
    } else {
    }
    %eq3A_3 = arith.constant 1 : i32
    %eq3A_4 = arith.cmpi eq, %arg0, %eq3A_3 : i32
    %convert_element_type3A_5 = arith.extui %eq3A_4 : i1 to i32
    %cond3A_6 = arith.constant 0 : i32
    %cond3A_7 = arith.cmpi ne, %convert_element_type3A_5, %cond3A_6 : i32
    scf.if %cond3A_7 {
      %get3A = arith.constant 0 : index
      %get3A_8 = arith.constant 0 : index
      %get3A_9 = vector.load %arg24[%get3A, %get3A_8] : memref<1x128xf32, #tpu.memory_space<vmem>>, vector<1x128xf32>
      %mul3A_10 = arith.constant 6.10351563E-5 : f32
      %mul3A_11 = vector.broadcast %mul3A_10 : f32 to vector<1x128xf32>
      %mul3A_12 = arith.mulf %get3A_9, %mul3A_11 : vector<1x128xf32>
      %get3A_13 = arith.constant 0 : index
      %get3A_14 = arith.constant 0 : index
      %get3A_15 = vector.load %arg25[%get3A_13, %get3A_14] : memref<1x128xf32, #tpu.memory_space<vmem>>, vector<1x128xf32>
      %mul3A_16 = arith.constant 6.10351563E-5 : f32
      %mul3A_17 = vector.broadcast %mul3A_16 : f32 to vector<1x128xf32>
      %mul3A_18 = arith.mulf %get3A_15, %mul3A_17 : vector<1x128xf32>
      %mul3A_19 = arith.mulf %mul3A_12, %mul3A_12 : vector<1x128xf32>
      %sub3A = arith.subf %mul3A_18, %mul3A_19 : vector<1x128xf32>
      %get3A_20 = arith.constant 0 : index
      %get3A_21 = arith.constant 0 : index
      %get3A_22 = vector.load %arg14[%get3A_20, %get3A_21] : memref<1x128xf32, #tpu.memory_space<vmem>>, vector<1x128xf32>
      %add3A = arith.constant 9.99999974E-6 : f32
      %add3A_23 = vector.broadcast %add3A : f32 to vector<1x128xf32>
      %add3A_24 = arith.addf %sub3A, %add3A_23 : vector<1x128xf32>
      %rsqrt3A = math.rsqrt %add3A_24 : vector<1x128xf32>
      %mul3A_25 = arith.mulf %get3A_22, %rsqrt3A : vector<1x128xf32>
      %get3A_26 = arith.constant 0 : index
      %get3A_27 = arith.constant 0 : index
      %get3A_28 = vector.load %arg15[%get3A_26, %get3A_27] : memref<1x128xf32, #tpu.memory_space<vmem>>, vector<1x128xf32>
      %mul3A_29 = arith.mulf %mul3A_12, %mul3A_25 : vector<1x128xf32>
      %sub3A_30 = arith.subf %get3A_28, %mul3A_29 : vector<1x128xf32>
      %get3A_31 = arith.index_cast %mul3A_0 : i32 to index
      %get3A_32 = arith.constant 0 : index
      %get3A_33 = vector.load %arg23[%get3A_31, %get3A_32] : memref<16384x128xf32, #tpu.memory_space<vmem>>, vector<8192x128xf32>
      %mul3A_34 = vector.broadcast %mul3A_25 : vector<1x128xf32> to vector<8192x128xf32>
      %mul3A_35 = arith.mulf %get3A_33, %mul3A_34 : vector<8192x128xf32>
      %add3A_36 = vector.broadcast %sub3A_30 : vector<1x128xf32> to vector<8192x128xf32>
      %add3A_37 = arith.addf %mul3A_35, %add3A_36 : vector<8192x128xf32>
      %get3A_38 = arith.constant 0 : index
      %get3A_39 = arith.constant 0 : index
      %get3A_40 = vector.load %arg16[%get3A_38, %get3A_39] : memref<128x64xf32, #tpu.memory_space<vmem>>, vector<128x64xf32>
      %convert_element_type3A_41 = arith.truncf %add3A_37 : vector<8192x128xf32> to vector<8192x128xbf16>
      %convert_element_type3A_42 = arith.truncf %get3A_40 : vector<128x64xf32> to vector<128x64xbf16>
      %dot_general3A = arith.constant dense<0.000000e+00> : vector<8192x64xf32>
      %dot_general3A_43 = tpu.matmul %convert_element_type3A_41, %convert_element_type3A_42, %dot_general3A {dimension_numbers = #tpu.dot_dimension_numbers<[1], [0], [0], [1], [0, 0, 1, 1], [], []>, transpose_lhs_hint = false} : vector<8192x128xbf16>, vector<128x64xbf16>, vector<8192x64xf32> -> vector<8192x64xf32>
      %get3A_44 = arith.constant 0 : index
      %get3A_45 = arith.constant 0 : index
      %get3A_46 = vector.load %arg17[%get3A_44, %get3A_45] : memref<1x64xf32, #tpu.memory_space<vmem>>, vector<1x64xf32>
      %add3A_47 = vector.broadcast %get3A_46 : vector<1x64xf32> to vector<8192x64xf32>
      %add3A_48 = arith.addf %dot_general3A_43, %add3A_47 : vector<8192x64xf32>
      %max3A = arith.constant 0.000000e+00 : f32
      %max3A_49 = vector.broadcast %max3A : f32 to vector<8192x64xf32>
      %max3A_50 = arith.maximumf %add3A_48, %max3A_49 : vector<8192x64xf32>
      %get3A_51 = arith.constant 0 : index
      %get3A_52 = arith.constant 0 : index
      %get3A_53 = vector.load %arg18[%get3A_51, %get3A_52] : memref<64x32xf32, #tpu.memory_space<vmem>>, vector<64x32xf32>
      %convert_element_type3A_54 = arith.truncf %max3A_50 : vector<8192x64xf32> to vector<8192x64xbf16>
      %convert_element_type3A_55 = arith.truncf %get3A_53 : vector<64x32xf32> to vector<64x32xbf16>
      %dot_general3A_56 = arith.constant dense<0.000000e+00> : vector<8192x32xf32>
      %dot_general3A_57 = tpu.matmul %convert_element_type3A_54, %convert_element_type3A_55, %dot_general3A_56 {dimension_numbers = #tpu.dot_dimension_numbers<[1], [0], [0], [1], [0, 0, 1, 1], [], []>, transpose_lhs_hint = false} : vector<8192x64xbf16>, vector<64x32xbf16>, vector<8192x32xf32> -> vector<8192x32xf32>
      %get3A_58 = arith.constant 0 : index
      %get3A_59 = arith.constant 0 : index
      %get3A_60 = vector.load %arg19[%get3A_58, %get3A_59] : memref<1x32xf32, #tpu.memory_space<vmem>>, vector<1x32xf32>
      %add3A_61 = vector.broadcast %get3A_60 : vector<1x32xf32> to vector<8192x32xf32>
      %add3A_62 = arith.addf %dot_general3A_57, %add3A_61 : vector<8192x32xf32>
      %max3A_63 = arith.constant 0.000000e+00 : f32
      %max3A_64 = vector.broadcast %max3A_63 : f32 to vector<8192x32xf32>
      %max3A_65 = arith.maximumf %add3A_62, %max3A_64 : vector<8192x32xf32>
      %get3A_66 = arith.constant 0 : index
      %get3A_67 = arith.constant 0 : index
      %get3A_68 = vector.load %arg20[%get3A_66, %get3A_67] : memref<32x1xf32, #tpu.memory_space<vmem>>, vector<32x1xf32>
      %dot_general3A_69 = arith.constant dense<0.000000e+00> : vector<1x8192xf32>
      %dot_general3A_70 = tpu.matmul %get3A_68, %max3A_65, %dot_general3A_69 {dimension_numbers = #tpu.dot_dimension_numbers<[0], [1], [1], [0], [0, 1, 1, 0], [], []>, transpose_lhs_hint = false} : vector<32x1xf32>, vector<8192x32xf32>, vector<1x8192xf32> -> vector<1x8192xf32>
      %get3A_71 = arith.constant 0 : index
      %get3A_72 = arith.constant 0 : index
      %get3A_73 = vector.load %arg21[%get3A_71, %get3A_72] : memref<1x1xf32, #tpu.memory_space<vmem>>, vector<1x1xf32>
      %add3A_74 = vector.broadcast %get3A_73 : vector<1x1xf32> to vector<1x8192xf32>
      %add3A_75 = arith.addf %dot_general3A_70, %add3A_74 : vector<1x8192xf32>
      %logistic3A = arith.negf %add3A_75 : vector<1x8192xf32>
      %logistic3A_76 = math.exp %logistic3A : vector<1x8192xf32>
      %logistic3A_77 = arith.constant 1.000000e+00 : f32
      %logistic3A_78 = vector.broadcast %logistic3A_77 : f32 to vector<1x8192xf32>
      %logistic3A_79 = arith.addf %logistic3A_78, %logistic3A_76 : vector<1x8192xf32>
      %logistic3A_80 = arith.divf %logistic3A_78, %logistic3A_79 : vector<1x8192xf32>
      %swap3A = arith.constant 0 : index
      %swap3A_81 = arith.constant 0 : index
      %swap3A_82 = vector.load %arg22[%swap3A, %swap3A_81] : memref<1x8192xf32, #tpu.memory_space<vmem>>, vector<1x8192xf32>
      tpu.vector_store %arg22[%swap3A, %swap3A_81], %logistic3A_80 {strides = array<i32>} : memref<1x8192xf32, #tpu.memory_space<vmem>>, vector<1x8192xf32>,
    } else {
    }
    return
  }
  func.func @transform_0(%arg0: i32, %arg1: i32) -> (i32, i32) {
    %eq3A = arith.constant 0 : i32
    %eq3A_0 = arith.cmpi eq, %arg0, %eq3A : i32
    %jit3A = arith.constant 0 : i32
    %select_n3A = arith.select %eq3A_0, %arg1, %jit3A : i32
    %c0_i32 = arith.constant 0 : i32
    %c0_i32_1 = arith.constant 0 : i32
    return %c0_i32, %select_n3A : i32, i32
  }
  func.func @transform_1(%arg0: i32, %arg1: i32) -> (i32, i32) {
    %eq3A = arith.constant 0 : i32
    %eq3A_0 = arith.cmpi eq, %arg0, %eq3A : i32
    %jit3A = arith.constant 0 : i32
    %select_n3A = arith.select %eq3A_0, %arg1, %jit3A : i32
    %c0_i32 = arith.constant 0 : i32
    %c0_i32_1 = arith.constant 0 : i32
    return %select_n3A, %c0_i32 : i32, i32
  }
  func.func @transform_2(%arg0: i32, %arg1: i32) -> (i32, i32) {
    %c0_i32 = arith.constant 0 : i32
    %c0_i32_0 = arith.constant 0 : i32
    %c0_i32_1 = arith.constant 0 : i32
    return %c0_i32, %c0_i32_0 : i32, i32
  }
  func.func @transform_3(%arg0: i32, %arg1: i32) -> (i32, i32) {
    %c0_i32 = arith.constant 0 : i32
    %c0_i32_0 = arith.constant 0 : i32
    %c0_i32_1 = arith.constant 0 : i32
    return %c0_i32, %c0_i32_0 : i32, i32
  }
  func.func @transform_4(%arg0: i32, %arg1: i32) -> (i32, i32) {
    %c0_i32 = arith.constant 0 : i32
    %c0_i32_0 = arith.constant 0 : i32
    %c0_i32_1 = arith.constant 0 : i32
    return %c0_i32, %c0_i32_0 : i32, i32
  }
  func.func @transform_5(%arg0: i32, %arg1: i32) -> (i32, i32) {
    %c0_i32 = arith.constant 0 : i32
    %c0_i32_0 = arith.constant 0 : i32
    %c0_i32_1 = arith.constant 0 : i32
    return %c0_i32, %c0_i32_0 : i32, i32
  }
  func.func @transform_6(%arg0: i32, %arg1: i32) -> (i32, i32) {
    %c0_i32 = arith.constant 0 : i32
    %c0_i32_0 = arith.constant 0 : i32
    %c0_i32_1 = arith.constant 0 : i32
    return %c0_i32, %c0_i32_0 : i32, i32
  }
  func.func @transform_7(%arg0: i32, %arg1: i32) -> (i32, i32) {
    %c0_i32 = arith.constant 0 : i32
    %c0_i32_0 = arith.constant 0 : i32
    %c0_i32_1 = arith.constant 0 : i32
    return %c0_i32, %c0_i32_0 : i32, i32
  }
  func.func @transform_8(%arg0: i32, %arg1: i32) -> (i32, i32) {
    %c0_i32 = arith.constant 0 : i32
    %c0_i32_0 = arith.constant 0 : i32
    %c0_i32_1 = arith.constant 0 : i32
    return %c0_i32, %c0_i32_0 : i32, i32
  }
  func.func @transform_9(%arg0: i32, %arg1: i32) -> (i32, i32) {
    %c0_i32 = arith.constant 0 : i32
    %c0_i32_0 = arith.constant 0 : i32
    %c0_i32_1 = arith.constant 0 : i32
    return %c0_i32, %c0_i32_0 : i32, i32
  }
  func.func @transform_10(%arg0: i32, %arg1: i32) -> (i32, i32) {
    %c0_i32 = arith.constant 0 : i32
    %c0_i32_0 = arith.constant 0 : i32
    %c0_i32_1 = arith.constant 0 : i32
    return %c0_i32, %c0_i32_0 : i32, i32
  }
  func.func @transform_11(%arg0: i32, %arg1: i32) -> (i32, i32) {
    %c0_i32 = arith.constant 0 : i32
    %c0_i32_0 = arith.constant 0 : i32
    %c0_i32_1 = arith.constant 0 : i32
    return %c0_i32, %c0_i32_0 : i32, i32
  }
  func.func @transform_12(%arg0: i32, %arg1: i32) -> (i32, i32) {
    %c0_i32 = arith.constant 0 : i32
    %c0_i32_0 = arith.constant 0 : i32
    %c0_i32_1 = arith.constant 0 : i32
    return %c0_i32, %c0_i32_0 : i32, i32
  }
  func.func @transform_13(%arg0: i32, %arg1: i32) -> (i32, i32) {
    %c0_i32 = arith.constant 0 : i32
    %c0_i32_0 = arith.constant 0 : i32
    %c0_i32_1 = arith.constant 0 : i32
    return %c0_i32, %c0_i32_0 : i32, i32
  }
  func.func @transform_14(%arg0: i32, %arg1: i32) -> (i32, i32) {
    %c0_i32 = arith.constant 0 : i32
    %c0_i32_0 = arith.constant 0 : i32
    %c0_i32_1 = arith.constant 0 : i32
    return %c0_i32, %c0_i32_0 : i32, i32
  }
  func.func @transform_15(%arg0: i32, %arg1: i32) -> (i32, i32) {
    %c0_i32 = arith.constant 0 : i32
    %c0_i32_0 = arith.constant 0 : i32
    %c0_i32_1 = arith.constant 0 : i32
    return %c0_i32, %c0_i32_0 : i32, i32
  }
  func.func @transform_16(%arg0: i32, %arg1: i32) -> (i32, i32) {
    %c0_i32 = arith.constant 0 : i32
    %c0_i32_0 = arith.constant 0 : i32
    %c0_i32_1 = arith.constant 0 : i32
    return %c0_i32, %c0_i32_0 : i32, i32
  }
  func.func @transform_17(%arg0: i32, %arg1: i32) -> (i32, i32) {
    %c0_i32 = arith.constant 0 : i32
    %c0_i32_0 = arith.constant 0 : i32
    %c0_i32_1 = arith.constant 0 : i32
    return %c0_i32, %c0_i32_0 : i32, i32
  }
  func.func @transform_18(%arg0: i32, %arg1: i32) -> (i32, i32) {
    %c0_i32 = arith.constant 0 : i32
    %c0_i32_0 = arith.constant 0 : i32
    %c0_i32_1 = arith.constant 0 : i32
    return %c0_i32, %c0_i32_0 : i32, i32
  }
  func.func @transform_19(%arg0: i32, %arg1: i32) -> (i32, i32) {
    %c0_i32 = arith.constant 0 : i32
    %c0_i32_0 = arith.constant 0 : i32
    %c0_i32_1 = arith.constant 0 : i32
    return %c0_i32, %c0_i32_0 : i32, i32
  }
  func.func @transform_20(%arg0: i32, %arg1: i32) -> (i32, i32) {
    %eq3A = arith.constant 1 : i32
    %eq3A_0 = arith.cmpi eq, %arg0, %eq3A : i32
    %jit3A = arith.constant 0 : i32
    %select_n3A = arith.select %eq3A_0, %arg1, %jit3A : i32
    %c0_i32 = arith.constant 0 : i32
    %c0_i32_1 = arith.constant 0 : i32
    return %c0_i32, %select_n3A : i32, i32
  }
}

</mosaic_0001>

<sc_bundles>
// kernel: kernel.5.cloned.1.call-start
scs
__scs_entry_jumppad:
0x0: {  	(pc) =	sbr.rel $0x88, $3  }
0x1: {  	(tag) =	ssettag $0x0;
	lr =	simm.s32 $0x1  }
0x2: {  	[smem:$0x3F8E] =	sst lr;
	_ =	strace $0xD0000000  }
0x3: {  	_ = 	snop  }
0x4: {  	_ = 	snop  }
0x5: {  	_ = 	snop  }
0x6: {  	_ = 	snop  }
0x7: {  	_ = 	snop  }
__scs_overlays_trampoline_lowered:
0x8: {  	[smem:$0x3F9D] =	sst s0  }
0x9: {  	[smem:$0x3F9E] =	sst s1  }
0xa: {  	[smem:$0x3F9F] =	sst s2  }
0xb: {  	[smem:$0x3FA0] =	sst s3  }
0xc: {  	[smem:$0x3FA1] =	sst s4  }
0xd: {  	[smem:$0x3FA2] =	sst s5  }
0xe: {  	[smem:$0x3FA3] =	sst s6  }
0xf: {  	[smem:$0x3FA4] =	sst s7  }
0x10: {  	[smem:$0x3FA5] =	sst s8  }
0x11: {  	[smem:$0x3FA6] =	sst s9;
	s0 =	simm.s32 @!p0 $0x0  }
0x12: {  	s1 =	sld [smem:$0x3F8C];
	s0 =	simm.s32 @p0 $0x1  }
0x13: {  	[smem:$0x3FA7] =	sst s0;
	s0 =	simm.s32 @!p1 $0x0  }
0x14: {  	s2 =	sld [smem:$0x3F8B];
	s0 =	simm.s32 @p1 $0x1  }
0x15: {  	[smem:$0x3FA8] =	sst s0;
	s0 =	simm.s32 @!p2 $0x0  }
0x16: {  	s3 =	sld [smem:$0x3FDB];
	s0 =	simm.s32 @p2 $0x1  }
0x17: {  	s4 =	simm.s32 $0x1BF5;
	[smem:$0x3FAA] =	sst s0  }
0x18: {  	s0 =	sld [smem:$0x3F8D];
	_ =	swait.ge [sflag:s4], $0x0  }
0x19: {  	s7 =	sld [smem:$0x3F8E]  }
0x1a: {  	s8 =	sadd.s32 $0xFFFFE003, lr  }
0x1b: {  	s9 =	sadd.s32 $0xFFFFFEF7, lr;
	s5 =	simm.s32 $0xFFFFFFFF;
	p2 =	slt.u32 s8, $0xFFFFF086  }
0x1c: {  	p1 =	slt.u32 s9, $0xF7A;
	s5 =	simm.s32 @!p2 $0x0  }
0x1d: {  	s5 =	simm.s32 @p1 $0x1;
	p0 =	seq.s32 s7, s2  }
0x1e: {  	s7 =	smul.u32 @!p0 $0xF7A, s2;
	p2 =	seq.s32 @!p0 s5, $0x0  }
0x1f: {  	s9 =	smul.u32 $0xF7A, s1;
	s8 =	simm.s32 @!p0 $0x1BF5;
	p2 =	por !p2, p0  }
0x20: {  	[sflag:s8] =	ssyncset.s32 @!p0 $0xFFFFF086;
	s6 =	sadd.s32 @!p0 s3, s7;
	s7 =	simm.s32 @!p0 $0x108  }
0x21: {  	s3 =	sadd.s32 s3, s9;
	s6 =	sadd.s32 @!p0 $0x88, s6;
	s7 =	simm.s32 @p2 $0x1082  }
0x22: {  	[simem:s7], [sflag:s8] =	dma.local @!p0 [hbm:s6], $0xF7A  }
0x23: {  	s9 =	sor.u32 $0xD0000000, s2;
	s6 =	simm.s32 $0x108;
	_ =	swait.ge @!p0 [sflag:s8], $0x0  }
0x24: {  	s3 =	sadd.s32 $0x88, s3;
	s6 =	simm.s32 @!p1 $0x1082;
	[sflag:s4] =	ssyncset.s32 $0xFFFFF086  }
0x25: {  	[simem:s6], [sflag:s4] =	dma.local [hbm:s3], $0xF7A  }
0x26: {  	[smem:$0x3F8E] =	sst s1;
	(tag) =	ssettag s2;
	_ =	strace s9  }
0x27: {  	s1 =	sld [smem:$0x3F9E]  }
0x28: {  	s2 =	sld [smem:$0x3F9F]  }
0x29: {  	s4 =	sld [smem:$0x3FA1]  }
0x2a: {  	p0 =	seq.s32 s5, $0x0;
	s5 =	sld [smem:$0x3FA2]  }
0x2b: {  	s6 =	sld [smem:$0x3FA3]  }
0x2c: {  	s7 =	sld [smem:$0x3FA4]  }
0x2d: {  	s3 =	simm.s32 $0x108;
	s8 =	sld [smem:$0x3FA5]  }
0x2e: {  	s3 =	simm.s32 @!p0 $0x1082;
	s9 =	sld [smem:$0x3FA6]  }
0x2f: {  	lr =	sadd.s32 s0, s3;
	s0 =	sld [smem:$0x3F9D]  }
0x30: {  	s3 =	sld [smem:$0x3FA0]  }
0x31: {  	[smem:$0x3FA9] =	sst s10  }
0x32: {  	s10 =	sld [smem:$0x3FA7];
	_ =	sdelay $0x3  }
0x33: {  	p0 =	seq.s32 s10, $0x1;
	s10 =	sld [smem:$0x3FA9];
	_ =	sdelay $0x3  }
0x34: {  	[smem:$0x3FA9] =	sst s10  }
0x35: {  	s10 =	sld [smem:$0x3FA8];
	_ =	sdelay $0x3  }
0x36: {  	p1 =	seq.s32 s10, $0x1;
	s10 =	sld [smem:$0x3FA9];
	_ =	sdelay $0x3  }
0x37: {  	[smem:$0x3FA9] =	sst s10  }
0x38: {  	s10 =	sld [smem:$0x3FAA]  }
0x39: {  	_ = 	snop;
	(pc) =	sbr.ind lr, $3  }
0x3a: {  	_ = 	snop  }
0x3b: {  	_ = 	snop  }
0x3c: {  	p2 =	seq.s32 s10, $0x1;
	s10 =	sld [smem:$0x3FA9]  }
0x3d: {  	_ =	shalt  }
0x3e: {  	_ =	shalt  }
0x3f: {  	_ =	shalt  }
0x40: {  	_ =	shalt  }
0x41: {  	_ =	shalt  }
0x42: {  	_ =	shalt  }
0x43: {  	_ =	shalt  }
0x44: {  	_ =	shalt  }
0x45: {  	_ =	shalt  }
0x46: {  	_ =	shalt  }
0x47: {  	_ =	shalt  }
0x48: {  	_ =	shalt  }
0x49: {  	_ =	shalt  }
0x4a: {  	_ =	shalt  }
0x4b: {  	_ =	shalt  }
0x4c: {  	_ =	shalt  }
0x4d: {  	_ =	shalt  }
0x4e: {  	_ =	shalt  }
0x4f: {  	_ =	shalt  }
0x50: {  	_ =	shalt  }
0x51: {  	_ =	shalt  }
0x52: {  	_ =	shalt  }
0x53: {  	_ =	shalt  }
0x54: {  	_ =	shalt  }
0x55: {  	_ =	shalt  }
0x56: {  	_ =	shalt  }
0x57: {  	_ =	shalt  }
0x58: {  	_ =	shalt  }
0x59: {  	_ =	shalt  }
0x5a: {  	_ =	shalt  }
0x5b: {  	_ =	shalt  }
0x5c: {  	_ =	shalt  }
0x5d: {  	_ =	shalt  }
0x5e: {  	_ =	shalt  }
0x5f: {  	_ =	shalt  }
0x60: {  	_ =	shalt  }
0x61: {  	_ =	shalt  }
0x62: {  	_ =	shalt  }
0x63: {  	_ =	shalt  }
0x64: {  	_ =	shalt  }
0x65: {  	_ =	shalt  }
0x66: {  	_ =	shalt  }
0x67: {  	_ =	shalt  }
0x68: {  	_ =	shalt  }
0x69: {  	_ =	shalt  }
0x6a: {  	_ =	shalt  }
0x6b: {  	_ =	shalt  }
0x6c: {  	_ =	shalt  }
0x6d: {  	_ =	shalt  }
0x6e: {  	_ =	shalt  }
0x6f: {  	_ =	shalt  }
0x70: {  	_ =	shalt  }
0x71: {  	_ =	shalt  }
0x72: {  	_ =	shalt  }
0x73: {  	_ =	shalt  }
0x74: {  	_ =	shalt  }
0x75: {  	_ =	shalt  }
0x76: {  	_ =	shalt  }
0x77: {  	_ =	shalt  }
0x78: {  	_ =	shalt  }
0x79: {  	_ =	shalt  }
0x7a: {  	_ =	shalt  }
0x7b: {  	_ =	shalt  }
0x7c: {  	_ =	shalt  }
0x7d: {  	_ =	shalt  }
0x7e: {  	_ =	shalt  }
0x7f: {  	_ =	shalt  }
0x80: {  	_ =	shalt  }
0x81: {  	_ =	shalt  }
0x82: {  	_ =	shalt  }
0x83: {  	_ =	shalt  }
0x84: {  	_ =	shalt  }
0x85: {  	_ =	shalt  }
0x86: {  	_ =	shalt  }
0x87: {  	_ =	shalt  }
.Lfunc_end0:
.L_simem_size_0:
called_computation_lowered:
.L_overlay_start_0:
0x88: {  	s2 =	sld [smem:$0x3FD9]  }
0x89: {  	s3 =	sld [smem:$0x3FFE];
	_ =	sdelay $0x1  }
0x8a: {  	s1 =	srdreg.scid  }
0x8b: {  	s0 =	sand.u32 $0x1, s1  }
0x8c: {  	s17 =	sshll.u32 s0, $0xA;
	s2 =	sadd.s32 s3, s2  }
0x8d: {  	s2 =	sadd.s32 s2, s17  }
0x8e: {  	[smem:$0x3FB5] =	sst s2  }
0x8f: {  	_ = 	snop  }
0x90: {  	s2 =	sld [smem:$0x3FC8];
	(tm) =	ssettm $0x1  }
0x91: {  	s18 =	sld [smem:$0x3FFB];
	_ =	sdelay $0x3  }
0x92: {  	_ =	strace s18  }
0x93: {  	s3 =	sld [smem:$0x3FFC];
	_ =	sdelay $0x3  }
0x94: {  	_ =	strace s3  }
0x95: {  	s3 =	sld [smem:$0x3FFD];
	_ =	sdelay $0x3  }
0x96: {  	_ =	strace s3  }
0x97: {  	_ =	strace $0x8FFFFFFF  }
0x98: {  	s19 =	sld [smem:$0x3FDB];
	_ =	sdelay $0x1  }
0x99: {  	s4 =	simm.s32 $_scs_section_size  }
0x9a: {  	s5 =	simm.s32 $_size__tile_overlayer_lowered;
	s6 =	simm.s32 $_tile_overlayer_lowered  }
0x9b: {  	s22 =	simm.s32 $0x1BFF;
	s21 =	sshll.u32 s6, $0x1;
	s3 =	sadd.s32 s4, s19  }
0x9c: {  	s7 =	simm.s32 $0x0;
	s20 =	sshll.u32 s5, $0x1;
	s5 =	sadd.s32 s21, s3  }
0x9d: {  	[timem:s7], [sflag:s22] =	dma.local [hbm:s5], s20  }
0x9e: {  	_ =	swait.ge [sflag:s22], s20  }
0x9f: {  	s4 =	ssub.s32 $0x0, s20;
	[sflag:s22] =	ssyncset.done $0x0  }
0xa0: {  	[sflag:s22] =	ssyncadd.s32 s4;
	_ =	sdelay $0x1  }
0xa1: {  	s23 =	simm.s32 $0x1B8B  }
0xa2: {  	_ =	swait.ge [sflag:s23], $0x1  }
0xa3: {  	[sflag:s23] =	ssyncset.done $0x0  }
0xa4: {  	s25 =	simm.s32 $0x1B8E;
	s24 =	sld [smem:$0x3FFE];
	[sflag:s23] =	ssyncadd.s32 $0xFFFFFFFF  }
0xa5: {  	s26 =	simm.s32 $execute0_lowered;
	[smem:$0x3FD2] =	sst s25  }
0xa6: {  	s5 =	sshll.u32 s26, $0x1;
	_ =	strace $0x80000046;
	[dreg:$0x1] =	wrdreg $0xFFFFFFFF  }
0xa7: {  	s28 =	simm.s32 $_size_execute0_lowered;
	s3 =	sadd.s32 s3, s5;
	[dreg:$0x0] =	wrdreg $0x0  }
0xa8: {  	s5 =	sshll.u32 s28, $0x1;
	[dreg:$0x2] =	wrdreg s3  }
0xa9: {  	[dreg:$0x3] =	wrdreg s5  }
0xaa: {  	[dreg:$0x4] =	wrdreg $0xC0  }
0xab: {  	_ =	task [dreg:s7], $0x5FFFF  }
0xac: {  	[dreg:$0x1] =	wrdreg $0xFFFFFFFF  }
0xad: {  	[dreg:$0x0] =	wrdreg $0x60  }
0xae: {  	[dreg:$0x2] =	wrdreg s24  }
0xaf: {  	[dreg:$0x3] =	wrdreg s2  }
0xb0: {  	[dreg:$0x4] =	wrdreg $0x9  }
0xb1: {  	_ =	task.clear_ibuf [dreg:s7], $0x5FFFF;
	_ =	strace $0x90000046  }
0xb2: {  	s29 =	simm.s32 $0x9;
	_ =	strace $0x80000048  }
0xb3: {  	_ =	swait.ge [sflag:s29], $0x1  }
0xb4: {  	[sflag:s29] =	ssyncadd.s32 $0xFFFFFFFF  }
0xb5: {  	_ =	strace $0x90000048  }
0xb6: {  	_ =	sfence  }
0xb7: {  	s30 =	sld [smem:$0x0];
	_ =	sdelay $0x2  }
0xb8: {  	s31 =	sshll.u32 s1, $0xD;
	s1 =	sshrl.u32 s1, $0x2  }
0xb9: {  	s3 =	sand.u32 $0x4000, s31;
	s1 =	sadd.s32 s1, s30  }
0xba: {  	s0 =	sor.u32 s3, s0;
	s1 =	sshll.u32 s1, $0x11  }
0xbb: {  	s0 =	sor.u32 s1, s0  }
0xbc: {  	s0 =	sadd.s32 $0x8F2B, s0  }
0xbd: {  	[sflag:s0] =	ssyncadd.remote.s32 $0x1  }
0xbe: {  	_ =	sfence.sel $0xFFFF  }
0xbf: {  	[dreg:$0x0] =	wrdreg $0xFFFFFFFF;
	(pc) =	sbr.abs _section_cstart, $3  }
0xc0: {  	[dreg:$0x1] =	wrdreg $0xFFFFFFFF  }
0xc1: {  	_ =	task.clear_ibuf [dreg:s7], $0x2FFFF;
	_ =	strace $0x9FFFFFFF  }
0xc2: {  	(tm) =	ssettm $0x7FFFFFFF  }
0xc3: {  	_ =	shalt  }
tec
execute0_lowered:
.L_overlay_start_1:
0x0: {  	(tag) =	ssettag $0x1  }
0x1: {  	s14 =	rddreg [dreg:$0x0]  }
0x2: {  	s3 =	rddreg [dreg:$0x1];
	s1 =	srdreg.scid  }
0x3: {  	s0 =	rddreg [dreg:$0x2];
	s15 =	sand.u32 $0x1, s1  }
0x4: {  	s2 =	simm.s32 $0x0;
	s1 =	stileid.u32;
	s4 =	sshll.u32 s15, $0x6  }
0x5: {  	[smem:$0x7FF] =	sst s2;
	s5 =	sshll.u32 s1, $0x7;
	s3 =	sadd.s32 s3, s4  }
0x6: {  	_ =	strace $0x80000047;
	s4 =	sadd.s32 s5, s3;
	s3 =	simm.s32 $0x2  }
0x7: {  	[tilespmem:s2], [sflag:$0x2] =	stream.linear.gather [hbm4b:s4+s2], $0x200, $0x38;
	[tilespmem:$0x10200] =	vst v63  }
0x8: {  	_ =	swait.ge [sflag:s3], $0x200  }
0x9: {  	s6 =	simm.s32 $0x80;
	[sflag:s3] =	ssyncset.done $0x0  }
0xa: {  	s7 =	simm.s32 $0x200;
	s5 =	sadd.s32 $0x2800, s14;
	[sflag:s3] =	ssyncadd.s32 $0xFFFFFE00  }
0xb: {  	[tilespmem:s7], [sflag:$0x1] =	stream.indirect.gather [hbm4b:s5+s6], $0x80, s2, s6, $0xb8;
	[tilespmem:$0x10200] =	vst v63  }
0xc: {  	s8 =	simm.s32 $0x4200  }
0xd: {  	[tilespmem:s8], [sflag:$0x1] =	stream.indirect.gather [hbm4b:s5+s6], $0x80, s6, s6, $0xb8;
	[tilespmem:$0x10200] =	vst v63  }
0xe: {  	s9 =	simm.s32 $0x100;
	s10 =	simm.s32 $0x8200  }
0xf: {  	[tilespmem:s10], [sflag:$0x1] =	stream.indirect.gather [hbm4b:s5+s6], $0x80, s9, s6, $0xb8;
	[tilespmem:$0x10200] =	vst v63  }
0x10: {  	s11 =	simm.s32 $0x180;
	s12 =	simm.s32 $0xC200;
	s13 =	simm.s32 $0x1  }
0x11: {  	[tilespmem:s12], [sflag:$0x1] =	stream.indirect.gather [hbm4b:s5+s6], $0x80, s11, s6, $0xb8;
	[tilespmem:$0x10200] =	vst v63  }
0x12: {  	_ =	swait.ge [sflag:s13], $0x4000  }
0x13: {  	[sflag:s13] =	ssyncset.done $0x0  }
0x14: {  	[sflag:s13] =	ssyncadd.s32 $0xFFFFC000  }
0x15: {  	_ =	swait.ge [sflag:s13], $0x4000  }
0x16: {  	[sflag:s13] =	ssyncset.done $0x0  }
0x17: {  	s16 =	sshll.u32 s15, $0xD;
	s15 =	ssub.s32 $0x2, s15;
	[sflag:s13] =	ssyncadd.s32 $0xFFFFC000  }
0x18: {  	s31 =	sshrl.u32 s15, $0x1;
	_ =	swait.ge [sflag:s13], $0x4000  }
0x19: {  	s15 =	ssub.s32 s15, s31;
	[sflag:s13] =	ssyncset.done $0x0  }
0x1a: {  	s17 =	sshll.u32 s1, $0xE;
	s15 =	smax.u32 s15, $0x1;
	[sflag:s13] =	ssyncadd.s32 $0xFFFFC000  }
0x1b: {  	s14 =	sadd.s32 s16, s14;
	p0 =	sne.s32 s15, $0x1;
	_ =	swait.ge [sflag:s13], $0x4000  }
.Ltmp0:
0x1c: {  	s14 =	sadd.s32 s17, s14;
	[sflag:s13] =	ssyncset.done $0x0;
	(pc) =	sbr.rel @!p0 .LBB2_2-.Ltmp0, $4  }
0x1d: {  	s14 =	sadd.s32 $0x8600, s14;
	[sflag:s13] =	ssyncadd.s32 $0xFFFFC000  }
0x1e: {  	[hbm4b:s14+s2] =	stream.linear.scatter [tilespmem:s7], [sflag:$0x2], $0x10000, $0x38;
	[tilespmem:$0x10200] =	vst v63  }
0x1f: {  	_ =	swait.ge [sflag:s3], $0x10000  }
0x20: {  	s15 =	sadd.s32 $0xFFFFFFFF, s15;
	[sflag:s3] =	ssyncset.done $0x0  }
.LBB2_1:
0x21: {  	p0 =	sne.s32 s15, $0x1;
	s15 =	sadd.s32 $0xFFFFFFFF, s15;
	[sflag:s3] =	ssyncadd.s32 $0xFFFF0000  }
0x22: {  	[tilespmem:s2], [sflag:$0x2] =	stream.linear.gather [hbm4b:s4+s2], $0x200, $0x38;
	[tilespmem:$0x10200] =	vst v63  }
0x23: {  	_ =	swait.ge [sflag:s3], $0x200  }
0x24: {  	[sflag:s3] =	ssyncset.done $0x0  }
0x25: {  	[sflag:s3] =	ssyncadd.s32 $0xFFFFFE00  }
0x26: {  	[tilespmem:s7], [sflag:$0x1] =	stream.indirect.gather [hbm4b:s5+s6], $0x80, s2, s6, $0xb8;
	[tilespmem:$0x10200] =	vst v63  }
0x27: {  	_ = 	snop  }
0x28: {  	[tilespmem:s8], [sflag:$0x1] =	stream.indirect.gather [hbm4b:s5+s6], $0x80, s6, s6, $0xb8;
	[tilespmem:$0x10200] =	vst v63  }
0x29: {  	_ = 	snop  }
0x2a: {  	[tilespmem:s10], [sflag:$0x1] =	stream.indirect.gather [hbm4b:s5+s6], $0x80, s9, s6, $0xb8;
	[tilespmem:$0x10200] =	vst v63  }
0x2b: {  	_ = 	snop  }
0x2c: {  	[tilespmem:s12], [sflag:$0x1] =	stream.indirect.gather [hbm4b:s5+s6], $0x80, s11, s6, $0xb8;
	[tilespmem:$0x10200] =	vst v63  }
0x2d: {  	_ =	swait.ge [sflag:s13], $0x4000  }
0x2e: {  	[sflag:s13] =	ssyncset.done $0x0  }
0x2f: {  	[sflag:s13] =	ssyncadd.s32 $0xFFFFC000  }
0x30: {  	_ =	swait.ge [sflag:s13], $0x4000  }
0x31: {  	[sflag:s13] =	ssyncset.done $0x0  }
0x32: {  	[sflag:s13] =	ssyncadd.s32 $0xFFFFC000  }
0x33: {  	_ =	swait.ge [sflag:s13], $0x4000  }
0x34: {  	[sflag:s13] =	ssyncset.done $0x0  }
0x35: {  	[sflag:s13] =	ssyncadd.s32 $0xFFFFC000  }
0x36: {  	_ =	swait.ge [sflag:s13], $0x4000  }
.Ltmp1:
0x37: {  	[sflag:s13] =	ssyncset.done $0x0;
	(pc) =	sbr.rel @p0 .LBB2_1-.Ltmp1, $4  }
0x38: {  	[sflag:s13] =	ssyncadd.s32 $0xFFFFC000  }
0x39: {  	[hbm4b:s14+s2] =	stream.linear.scatter [tilespmem:s7], [sflag:$0x2], $0x10000, $0x38;
	[tilespmem:$0x10200] =	vst v63  }
0x3a: {  	_ =	swait.ge [sflag:s3], $0x10000  }
0x3b: {  	[sflag:s3] =	ssyncset.done $0x0  }
.LBB2_2:
0x3c: {  	[sflag:s3] =	ssyncadd.s32 $0xFFFF0000  }
0x3d: {  	_ =	sfence.sel $0x180000  }
0x3e: {  	[bflag:$0x0] =	sbarrier.arrive $0xFFFF  }
0x3f: {  	p0 =	sne.s32 s1, $0x0;
	_ =	strace $0x90000047  }
0x40: {  	s0 =	sadd.s32 @!p0 $0x100000, s0;
	[bflag:$0x2] =	sbarrier.arrive $0xFFFF  }
0x41: {  	[sflag:s0] =	ssyncadd.tile.s32 @!p0 $0x1;
	_ =	shalt  }
.Lfunc_end2:
_tile_overlayer_lowered:
.L_overlay_start_2:
0x42: {  	(tag) =	ssettag $0x2  }
0x43: {  	s0 =	rddreg [dreg:$0x0];
	s2 =	stileid.u32  }
0x44: {  	s1 =	rddreg [dreg:$0x1];
	p0 =	sne.s32 s2, $0x0  }
0x45: {  	s3 =	rddreg [dreg:$0x2];
	[bflag:$0x3] =	sbarrier.arrive $0xFFFF;
	s2 =	simm.s32 @!p0 $0x1C02  }
0x46: {  	[timem:s3], [sflag:s2] =	dma.local @!p0 [hbm:s0], s1  }
0x47: {  	s0 =	simm.s32 @!p0 $0x2  }
0x48: {  	_ =	swait.ge @!p0 [sflag:s0], s1  }
0x49: {  	s1 =	ssub.s32 @!p0 $0x0, s1;
	[sflag:s0] =	ssyncset.done @!p0 $0x0  }
0x4a: {  	[sflag:s0] =	ssyncadd.s32 @!p0 s1  }
0x4b: {  	[bflag:$0x3] =	sbarrier.arrive $0xFFFF  }
0x4c: {  	_ =	shalt  }

</sc_bundles>
